<compile_context>
chip_gen: v7x
topology: tpu7x:2x2x1
jax: 0.10.2.dev20260603
libtpu: 0.0.44.dev20260713+nightly
codegen_flags: <defaults>
</compile_context>

<pallas_src>
import functools
import math

import jax
import jax.numpy as jnp
from jax import lax
from jax.experimental import pallas as pl
from jax.experimental.pallas import tpu as pltpu
from jax.experimental.pallas import tpu_sc as plsc

N = 10000
E = 320000
D_IN = 128
HID = 64
C = 40
C_PAD = 48
EPS = 1e-5
INV_S = 1.0 / math.sqrt(1.0 + EPS)

NC = 2
NS = 16
NW = NC * NS
EPW = E // NW
CH = 125
NCH = EPW // CH
NB = 4
N_PAD = 10240
NPT = N_PAD // NS


def _sc_mesh():
    return plsc.VectorSubcoreMesh(core_axis_name="c", subcore_axis_name="s")


@functools.partial(
    pl.kernel,
    out_type=jax.ShapeDtypeStruct((NC, N_PAD, 8), jnp.float32),
    mesh=_sc_mesh(),
    compiler_params=pltpu.CompilerParams(use_tc_tiling_on_sc=False),
    scratch_types=[
        pltpu.VMEM((NCH, CH), jnp.int32),
        pltpu.VMEM((CH, 8), jnp.float32),
        pltpu.VMEM_SHARED((N_PAD, 8), jnp.float32),
        pltpu.SemaphoreType.DMA,
    ],
)
def _deg_sc(ei_hbm, zeros_hbm, ones_hbm, out_hbm, idst, ones_v, acc, sem):
    cid = lax.axis_index("c")
    sid = lax.axis_index("s")
    wid = sid * NC + cid
    pltpu.async_copy(ones_hbm, ones_v, sem)
    pltpu.async_copy(ei_hbm.at[1, wid], idst, sem)
    pltpu.async_copy(zeros_hbm, acc.at[pl.ds(sid * NPT, NPT)], sem)
    pltpu.make_async_copy(ones_hbm, ones_v, sem).wait()
    pltpu.make_async_copy(ei_hbm.at[1, wid], idst, sem).wait()
    pltpu.make_async_copy(zeros_hbm, acc.at[pl.ds(sid * NPT, NPT)], sem).wait()
    plsc.subcore_barrier()

    def body(c, carry):
        pltpu.async_copy(ones_v, acc.at[idst.at[c]], sem, add=True)

        @pl.when(c >= 1)
        def _():
            pltpu.make_async_copy(ones_v, acc.at[idst.at[0]], sem).wait()

        return carry

    lax.fori_loop(0, NCH, body, 0)
    pltpu.make_async_copy(ones_v, acc.at[idst.at[0]], sem).wait()
    plsc.subcore_barrier()
    pltpu.sync_copy(acc.at[pl.ds(sid * NPT, NPT)],
                    out_hbm.at[cid, pl.ds(sid * NPT, NPT)])


def _make_seg(W):
    @functools.partial(
        pl.kernel,
        out_type=jax.ShapeDtypeStruct((NC, N_PAD, W), jnp.float32),
        mesh=_sc_mesh(),
        compiler_params=pltpu.CompilerParams(use_tc_tiling_on_sc=False),
        scratch_types=[
            pltpu.VMEM((NCH, CH), jnp.int32),
            pltpu.VMEM((NCH, CH), jnp.int32),
            pltpu.VMEM((NB, CH, W), jnp.float32),
            pltpu.VMEM_SHARED((N_PAD, W), jnp.float32),
            [pltpu.SemaphoreType.DMA] * NB,
            [pltpu.SemaphoreType.DMA] * NB,
        ],
    )
    def seg(z_hbm, ei_hbm, zeros_hbm, out_hbm,
            isrc, idst, rows, acc, sg, ss):
        cid = lax.axis_index("c")
        sid = lax.axis_index("s")
        wid = sid * NC + cid
        pltpu.async_copy(ei_hbm.at[0, wid], isrc, sg[0])
        pltpu.async_copy(ei_hbm.at[1, wid], idst, sg[1])
        pltpu.async_copy(zeros_hbm, acc.at[pl.ds(sid * NPT, NPT)], sg[2])
        pltpu.make_async_copy(ei_hbm.at[0, wid], isrc, sg[0]).wait()
        pltpu.make_async_copy(ei_hbm.at[1, wid], idst, sg[1]).wait()
        pltpu.make_async_copy(zeros_hbm, acc.at[pl.ds(sid * NPT, NPT)],
                              sg[2]).wait()
        plsc.subcore_barrier()

        pltpu.async_copy(z_hbm.at[isrc.at[0]], rows.at[0], sg[0])
        pltpu.async_copy(z_hbm.at[isrc.at[1]], rows.at[1], sg[1])

        def body(g, carry):
            for b in range(NB):
                c = NB * g + b
                pltpu.make_async_copy(z_hbm.at[isrc.at[c]], rows.at[b],
                                      sg[b]).wait()
                pltpu.async_copy(rows.at[b], acc.at[idst.at[c]], ss[b],
                                 add=True)
                kb = (b + 2) % NB
                if b < 2:
                    @pl.when(g == 0)
                    def _():
                        pltpu.async_copy(z_hbm.at[isrc.at[b + 2]],
                                         rows.at[kb], sg[kb])

                    @pl.when(g >= 1)
                    def _():
                        pltpu.make_async_copy(rows.at[kb],
                                              acc.at[idst.at[c - 2]],
                                              ss[kb]).wait()
                        pltpu.async_copy(z_hbm.at[isrc.at[c + 2]],
                                         rows.at[kb], sg[kb])
                else:
                    @pl.when(g <= NCH // NB - 2)
                    def _():
                        pltpu.make_async_copy(rows.at[kb],
                                              acc.at[idst.at[c - 2]],
                                              ss[kb]).wait()
                        pltpu.async_copy(z_hbm.at[isrc.at[c + 2]],
                                         rows.at[kb], sg[kb])
            return carry

        lax.fori_loop(0, NCH // NB, body, 0)
        for b in range(NB):
            pltpu.make_async_copy(rows.at[b], acc.at[idst.at[NCH - NB + b]],
                                  ss[b]).wait()
        plsc.subcore_barrier()
        pltpu.sync_copy(acc.at[pl.ds(sid * NPT, NPT)],
                        out_hbm.at[cid, pl.ds(sid * NPT, NPT)])

    return seg


_seg_hid = _make_seg(HID)
_seg_out = _make_seg(C_PAD)


def _tc0_body(x_ref, w1_ref, xw_ref):
    xw_ref[...] = jnp.dot(x_ref[...], w1_ref[...],
                          preferred_element_type=jnp.float32)


_tc0 = pl.pallas_call(
    _tc0_body,
    out_shape=jax.ShapeDtypeStruct((N, HID), jnp.float32),
)


def _tc1_body(xw_ref, degp_ref, z1_ref, dinv_ref):
    deg = degp_ref[0, :N, 0:1] + degp_ref[1, :N, 0:1] + 1.0
    dinv = lax.rsqrt(deg)
    dinv_ref[...] = dinv
    z1_ref[...] = xw_ref[...] * dinv


_tc1 = pl.pallas_call(
    _tc1_body,
    out_shape=[
        jax.ShapeDtypeStruct((N, HID), jnp.float32),
        jax.ShapeDtypeStruct((N, 1), jnp.float32),
    ],
)


def _tc2_body(a1p_ref, z1_ref, dinv_ref, g_ref, be_ref, b1_ref, w2_ref,
              z2_ref):
    dinv = dinv_ref[...]
    h1 = ((a1p_ref[0, :N] + a1p_ref[1, :N] + z1_ref[...]) * dinv
          + b1_ref[...])
    h = jnp.maximum(g_ref[...] * (h1 * INV_S) + be_ref[...], 0.0)
    hw = jnp.dot(h, w2_ref[...], preferred_element_type=jnp.float32)
    z2_ref[...] = hw * dinv


_tc2 = pl.pallas_call(
    _tc2_body,
    out_shape=jax.ShapeDtypeStruct((N, C_PAD), jnp.float32),
)


def _tc3_body(a2p_ref, z2_ref, dinv_ref, b2_ref, out_ref):
    full = ((a2p_ref[0, :N] + a2p_ref[1, :N] + z2_ref[...]) * dinv_ref[...]
            + b2_ref[...])
    out_ref[...] = full[:, :C]


_tc3 = pl.pallas_call(
    _tc3_body,
    out_shape=jax.ShapeDtypeStruct((N, C), jnp.float32),
)


def kernel(x, edge_index, W1, b1, gamma, beta, W2, b2):
    ei = edge_index.astype(jnp.int32).reshape(2, NW, NCH, CH)

    zeros8 = jnp.zeros((NPT, 8), jnp.float32)
    ones8 = jnp.ones((CH, 8), jnp.float32)
    zeros_hid = jnp.zeros((NPT, HID), jnp.float32)
    zeros_out = jnp.zeros((NPT, C_PAD), jnp.float32)
    w2p = jnp.pad(W2, ((0, 0), (0, C_PAD - C)))
    b2p = jnp.pad(b2, (0, C_PAD - C)).reshape(1, C_PAD)

    xw = _tc0(x, W1)
    degp = _deg_sc(ei, zeros8, ones8)
    z1, dinv = _tc1(xw, degp)
    a1p = _seg_hid(z1, ei, zeros_hid)
    z2 = _tc2(a1p, z1, dinv, gamma.reshape(1, HID),
              beta.reshape(1, HID), b1.reshape(1, HID), w2p)
    a2p = _seg_out(z2, ei, zeros_out)
    return _tc3(a2p, z2, dinv, b2p)

# --- scband reference (transcript-rebuilt; emitter-appended) ---
"""Pipeline reference for scband-oe-47167330845095 (READ-ONLY COPY).

The authoritative reference and input builder live on the scoring server;
editing this copy changes nothing except your own understanding.
"""

import jax, jax.numpy as jnp
import numpy as np

N = 10000
E = 320000
D_IN = 128
HID = 64
C = 40
EPS = 1e-5


def _glorot(key, shape):
    fan_in, fan_out = shape[0], shape[1]
    limit = float(np.sqrt(6.0 / (fan_in + fan_out)))
    return jax.random.uniform(key, shape, dtype=jnp.float32, minval=-limit, maxval=limit)


def setup_inputs(seed: int = 0) -> dict:
    key = jax.random.key(seed)
    ks = jax.random.split(key, 8)
    x = jax.random.normal(ks[0], (N, D_IN), dtype=jnp.float32)
    edge_index = jax.random.randint(ks[1], (2, E), 0, N)
    W1 = _glorot(ks[2], (D_IN, HID))
    b1 = jnp.zeros((HID,), dtype=jnp.float32)
    gamma = jnp.ones((HID,), dtype=jnp.float32)
    beta = jnp.zeros((HID,), dtype=jnp.float32)
    W2 = _glorot(ks[3], (HID, C))
    b2 = jnp.zeros((C,), dtype=jnp.float32)
    return {"x": x, "edge_index": edge_index, "W1": W1, "b1": b1,
            "gamma": gamma, "beta": beta, "W2": W2, "b2": b2}


def _gcn_conv(x, edge_index, W, b):
    # GCNConv: linear transform, add self-loops, symmetric normalization, scatter-add aggregate
    n = x.shape[0]
    xw = x @ W
    loops = jnp.arange(n, dtype=edge_index.dtype)
    src = jnp.concatenate([edge_index[0], loops])
    dst = jnp.concatenate([edge_index[1], loops])
    deg = jnp.zeros((n,), dtype=xw.dtype).at[dst].add(1.0)
    dinv = jax.lax.rsqrt(jnp.maximum(deg, 1.0))
    norm = dinv[src] * dinv[dst]
    msgs = jnp.take(xw, src, axis=0) * norm[:, None]
    out = jnp.zeros((n, xw.shape[1]), dtype=xw.dtype).at[dst].add(msgs)
    return out + b


def reference(x, edge_index, W1, b1, gamma, beta, W2, b2):
    # OE.forward -> GCN encoder forward (eval mode: dropout is identity, BN uses running stats
    # mean=0, var=1 at initialization)
    h = _gcn_conv(x, edge_index, W1, b1)
    h = gamma * (h / jnp.sqrt(1.0 + EPS)) + beta  # BatchNorm1d eval with running_mean=0, running_var=1
    h = jax.nn.relu(h)
    # dropout p=0.5 is a no-op in eval
    logits = _gcn_conv(h, edge_index, W2, b2)
    return logits

if __name__ == "__main__":
    import jax
    _d = setup_inputs()
    print(jax.jit(kernel)(*tuple(_d.values())))

</pallas_src>

<mosaic_0001>
#map = affine_map<(d0, d1) -> (0, 0, 0, 0)>
#map1 = affine_map<(d0, d1) -> (0, 0)>
#map2 = affine_map<(d0, d1) -> (0, 0, 0)>
module attributes {stable_mosaic.version = 14 : i64} {
  func.func @_deg_sc(%arg0: i32, %arg1: i32, %arg2: memref<2x32x80x125xi32, #tpu.memory_space<hbm>>, %arg3: memref<640x8xf32, #tpu.memory_space<hbm>>, %arg4: memref<125x8xf32, #tpu.memory_space<hbm>>, %arg5: memref<2x10240x8xf32, #tpu.memory_space<hbm>>, %arg6: memref<80x125xi32, #tpu.memory_space<vmem>>, %arg7: memref<125x8xf32, #tpu.memory_space<vmem>>, %arg8: memref<10240x8xf32, #tpu.memory_space<vmem_shared>>, %arg9: memref<!tpu.dma_semaphore, #tpu.memory_space<semaphore_mem>>) attributes {dimension_semantics = [#tpu.dimension_semantics<core_parallel>, #tpu.dimension_semantics<subcore_parallel>], iteration_bounds = array<i64: 2, 16>, scalar_prefetch = 0 : i64, scratch_operands = 4 : i64, tpu.core_type = #tpu.core_type<sc_vector_subcore>, window_params = [{transform_indices = #map}, {transform_indices = #map1}, {transform_indices = #map1}, {transform_indices = #map2}]} {
    %mul3A = arith.constant 2 : i32
    %mul3A_0 = arith.muli %arg1, %mul3A : i32
    %add3A = arith.addi %mul3A_0, %arg0 : i32
    tpu.enqueue_dma source(%arg4 : memref<125x8xf32, #tpu.memory_space<hbm>>) target(%arg7 : memref<125x8xf32, #tpu.memory_space<vmem>>) target_semaphore(%arg9 : memref<!tpu.dma_semaphore, #tpu.memory_space<semaphore_mem>>)
    %dma_start3A = arith.constant 1 : i32
    %dma_start3A_1 = arith.constant 0 : i32
    %dma_start3A_2 = arith.constant 0 : i32
    %dma_start3A_3 = tpu.memref_slice %arg2[%dma_start3A, %add3A, %dma_start3A_1, %dma_start3A_2] : memref<2x32x80x125xi32, #tpu.memory_space<hbm>> -> memref<1x1x80x125xi32, #tpu.memory_space<hbm>>
    %dma_start3A_4 = tpu.memref_squeeze %dma_start3A_3 : memref<1x1x80x125xi32, #tpu.memory_space<hbm>> -> memref<80x125xi32, #tpu.memory_space<hbm>>
    %dma_start3A_5 = arith.constant 0 : i32
    %dma_start3A_6 = arith.constant 0 : i32
    %dma_start3A_7 = tpu.memref_slice %arg2[%dma_start3A, %add3A, %dma_start3A_5, %dma_start3A_6] : memref<2x32x80x125xi32, #tpu.memory_space<hbm>> -> memref<1x1x80x125xi32, #tpu.memory_space<hbm>>
    %dma_start3A_8 = tpu.memref_squeeze %dma_start3A_7 : memref<1x1x80x125xi32, #tpu.memory_space<hbm>> -> memref<80x125xi32, #tpu.memory_space<hbm>>
    tpu.enqueue_dma source(%dma_start3A_8 : memref<80x125xi32, #tpu.memory_space<hbm>>) target(%arg6 : memref<80x125xi32, #tpu.memory_space<vmem>>) target_semaphore(%arg9 : memref<!tpu.dma_semaphore, #tpu.memory_space<semaphore_mem>>)
    %mul3A_9 = arith.constant 640 : i32
    %mul3A_10 = arith.muli %arg1, %mul3A_9 : i32
    %dma_start3A_11 = arith.constant 0 : i32
    %dma_start3A_12 = tpu.memref_slice %arg8[%mul3A_10, %dma_start3A_11] : memref<10240x8xf32, #tpu.memory_space<vmem_shared>> -> memref<640x8xf32, #tpu.memory_space<vmem_shared>>
    tpu.enqueue_dma source(%arg3 : memref<640x8xf32, #tpu.memory_space<hbm>>) target(%dma_start3A_12 : memref<640x8xf32, #tpu.memory_space<vmem_shared>>) target_semaphore(%arg9 : memref<!tpu.dma_semaphore, #tpu.memory_space<semaphore_mem>>)
    tpu.wait_dma2 semaphore(%arg9 : memref<!tpu.dma_semaphore, #tpu.memory_space<semaphore_mem>>) src(%arg4 : memref<125x8xf32, #tpu.memory_space<hbm>>) dst(%arg7 : memref<125x8xf32, #tpu.memory_space<vmem>>)
    %dma_wait3A = arith.constant 1 : i32
    %dma_wait3A_13 = arith.constant 0 : i32
    %dma_wait3A_14 = arith.constant 0 : i32
    %dma_wait3A_15 = tpu.memref_slice %arg2[%dma_wait3A, %add3A, %dma_wait3A_13, %dma_wait3A_14] : memref<2x32x80x125xi32, #tpu.memory_space<hbm>> -> memref<1x1x80x125xi32, #tpu.memory_space<hbm>>
    %dma_wait3A_16 = tpu.memref_squeeze %dma_wait3A_15 : memref<1x1x80x125xi32, #tpu.memory_space<hbm>> -> memref<80x125xi32, #tpu.memory_space<hbm>>
    %dma_wait3A_17 = arith.constant 0 : i32
    %dma_wait3A_18 = arith.constant 0 : i32
    %dma_wait3A_19 = tpu.memref_slice %arg2[%dma_wait3A, %add3A, %dma_wait3A_17, %dma_wait3A_18] : memref<2x32x80x125xi32, #tpu.memory_space<hbm>> -> memref<1x1x80x125xi32, #tpu.memory_space<hbm>>
    %dma_wait3A_20 = tpu.memref_squeeze %dma_wait3A_19 : memref<1x1x80x125xi32, #tpu.memory_space<hbm>> -> memref<80x125xi32, #tpu.memory_space<hbm>>
    tpu.wait_dma2 semaphore(%arg9 : memref<!tpu.dma_semaphore, #tpu.memory_space<semaphore_mem>>) src(%dma_wait3A_20 : memref<80x125xi32, #tpu.memory_space<hbm>>) dst(%arg6 : memref<80x125xi32, #tpu.memory_space<vmem>>)
    %mul3A_21 = arith.constant 640 : i32
    %mul3A_22 = arith.muli %arg1, %mul3A_21 : i32
    %dma_wait3A_23 = arith.constant 0 : i32
    %dma_wait3A_24 = tpu.memref_slice %arg8[%mul3A_22, %dma_wait3A_23] : memref<10240x8xf32, #tpu.memory_space<vmem_shared>> -> memref<640x8xf32, #tpu.memory_space<vmem_shared>>
    tpu.wait_dma2 semaphore(%arg9 : memref<!tpu.dma_semaphore, #tpu.memory_space<semaphore_mem>>) src(%arg3 : memref<640x8xf32, #tpu.memory_space<hbm>>) dst(%dma_wait3A_24 : memref<640x8xf32, #tpu.memory_space<vmem_shared>>)
    %barrier3A = arith.constant 0 : index
    tpu.barrier barrier_id(%barrier3A)
    %scan3A = arith.constant 0 : i32
    %scan3A_25 = arith.constant 0 : i32
    %scan3A_26 = arith.constant 80 : i32
    %scan3A_27 = arith.addi %scan3A_25, %scan3A_26 : i32
    %scan3A_28 = arith.constant 1 : i32
    scf.for %scan3A_42 = %scan3A_25 to %scan3A_27 step %scan3A_28  : i32 {
      %dma_start3A_43 = arith.constant 0 : i32
      %dma_start3A_44 = tpu.memref_slice %arg6[%scan3A_42, %dma_start3A_43] : memref<80x125xi32, #tpu.memory_space<vmem>> -> memref<1x125xi32, #tpu.memory_space<vmem>>
      %dma_start3A_45 = tpu.memref_squeeze %dma_start3A_44 : memref<1x125xi32, #tpu.memory_space<vmem>> -> memref<125xi32, #tpu.memory_space<vmem>>
      %dma_start3A_46 = arith.constant 0 : i32
      %dma_start3A_47 = arith.constant 0 : i32
      %dma_start3A_48 = tpu.memref_slice %arg8[%dma_start3A_46, %dma_start3A_47] : memref<10240x8xf32, #tpu.memory_space<vmem_shared>> -> memref<10240x8xf32, #tpu.memory_space<vmem_shared>>
      tpu.enqueue_indirect_dma source(%arg7 : memref<125x8xf32, #tpu.memory_space<vmem>>) target(%dma_start3A_48 : memref<10240x8xf32, #tpu.memory_space<vmem_shared>>) offsets(%dma_start3A_45 : memref<125xi32, #tpu.memory_space<vmem>>) semaphore(%arg9 : memref<!tpu.dma_semaphore, #tpu.memory_space<semaphore_mem>>) {add = true}
      %ge3A = arith.constant 1 : i32
      %ge3A_49 = arith.cmpi sge, %scan3A_42, %ge3A : i32
      %convert_element_type3A = arith.extui %ge3A_49 : i1 to i32
      %cond3A = arith.constant 0 : i32
      %cond3A_50 = arith.cmpi ne, %convert_element_type3A, %cond3A : i32
      scf.if %cond3A_50 {
        %dma_wait3A_51 = arith.constant 0 : i32
        %dma_wait3A_52 = arith.constant 0 : i32
        %dma_wait3A_53 = tpu.memref_slice %arg6[%dma_wait3A_51, %dma_wait3A_52] : memref<80x125xi32, #tpu.memory_space<vmem>> -> memref<1x125xi32, #tpu.memory_space<vmem>>
        %dma_wait3A_54 = tpu.memref_squeeze %dma_wait3A_53 : memref<1x125xi32, #tpu.memory_space<vmem>> -> memref<125xi32, #tpu.memory_space<vmem>>
        %dma_wait3A_55 = arith.constant 0 : i32
        %dma_wait3A_56 = arith.constant 0 : i32
        %dma_wait3A_57 = tpu.memref_slice %arg8[%dma_wait3A_55, %dma_wait3A_56] : memref<10240x8xf32, #tpu.memory_space<vmem_shared>> -> memref<10240x8xf32, #tpu.memory_space<vmem_shared>>
        tpu.wait_indirect_dma semaphore(%arg9 : memref<!tpu.dma_semaphore, #tpu.memory_space<semaphore_mem>>) src(%arg7 : memref<125x8xf32, #tpu.memory_space<vmem>>) dst(%dma_wait3A_57 : memref<10240x8xf32, #tpu.memory_space<vmem_shared>>)
      } else {
      }
    }
    %scan3A_29 = arith.constant 80 : i32
    %dma_wait3A_30 = arith.constant 0 : i32
    %dma_wait3A_31 = arith.constant 0 : i32
    %dma_wait3A_32 = tpu.memref_slice %arg6[%dma_wait3A_30, %dma_wait3A_31] : memref<80x125xi32, #tpu.memory_space<vmem>> -> memref<1x125xi32, #tpu.memory_space<vmem>>
    %dma_wait3A_33 = tpu.memref_squeeze %dma_wait3A_32 : memref<1x125xi32, #tpu.memory_space<vmem>> -> memref<125xi32, #tpu.memory_space<vmem>>
    %dma_wait3A_34 = arith.constant 0 : i32
    %dma_wait3A_35 = arith.constant 0 : i32
    %dma_wait3A_36 = tpu.memref_slice %arg8[%dma_wait3A_34, %dma_wait3A_35] : memref<10240x8xf32, #tpu.memory_space<vmem_shared>> -> memref<10240x8xf32, #tpu.memory_space<vmem_shared>>
    tpu.wait_indirect_dma semaphore(%arg9 : memref<!tpu.dma_semaphore, #tpu.memory_space<semaphore_mem>>) src(%arg7 : memref<125x8xf32, #tpu.memory_space<vmem>>) dst(%dma_wait3A_36 : memref<10240x8xf32, #tpu.memory_space<vmem_shared>>)
    %barrier3A_37 = arith.constant 0 : index
    tpu.barrier barrier_id(%barrier3A_37)
    %mul3A_38 = arith.constant 640 : i32
    %mul3A_39 = arith.muli %arg1, %mul3A_38 : i32
    %mul3A_40 = arith.constant 640 : i32
    %mul3A_41 = arith.muli %arg1, %mul3A_40 : i32
    "tpu.region"() ({
      %run_scoped3A = tpu.sem_alloc : memref<!tpu.dma_semaphore, #tpu.memory_space<semaphore_mem>>
      %dma_start3A_42 = arith.constant 0 : i32
      %dma_start3A_43 = tpu.memref_slice %arg5[%arg0, %mul3A_41, %dma_start3A_42] : memref<2x10240x8xf32, #tpu.memory_space<hbm>> -> memref<1x640x8xf32, #tpu.memory_space<hbm>>
      %dma_start3A_44 = tpu.memref_squeeze %dma_start3A_43 : memref<1x640x8xf32, #tpu.memory_space<hbm>> -> memref<640x8xf32, #tpu.memory_space<hbm>>
      %dma_start3A_45 = arith.constant 0 : i32
      %dma_start3A_46 = tpu.memref_slice %arg8[%mul3A_39, %dma_start3A_45] : memref<10240x8xf32, #tpu.memory_space<vmem_shared>> -> memref<640x8xf32, #tpu.memory_space<vmem_shared>>
      tpu.enqueue_dma source(%dma_start3A_46 : memref<640x8xf32, #tpu.memory_space<vmem_shared>>) target(%dma_start3A_44 : memref<640x8xf32, #tpu.memory_space<hbm>>) target_semaphore(%run_scoped3A : memref<!tpu.dma_semaphore, #tpu.memory_space<semaphore_mem>>)
      %dma_wait3A_47 = arith.constant 0 : i32
      %dma_wait3A_48 = tpu.memref_slice %arg5[%arg0, %mul3A_41, %dma_wait3A_47] : memref<2x10240x8xf32, #tpu.memory_space<hbm>> -> memref<1x640x8xf32, #tpu.memory_space<hbm>>
      %dma_wait3A_49 = tpu.memref_squeeze %dma_wait3A_48 : memref<1x640x8xf32, #tpu.memory_space<hbm>> -> memref<640x8xf32, #tpu.memory_space<hbm>>
      %dma_wait3A_50 = arith.constant 0 : i32
      %dma_wait3A_51 = tpu.memref_slice %arg8[%mul3A_39, %dma_wait3A_50] : memref<10240x8xf32, #tpu.memory_space<vmem_shared>> -> memref<640x8xf32, #tpu.memory_space<vmem_shared>>
      tpu.wait_dma2 semaphore(%run_scoped3A : memref<!tpu.dma_semaphore, #tpu.memory_space<semaphore_mem>>) src(%dma_wait3A_51 : memref<640x8xf32, #tpu.memory_space<vmem_shared>>) dst(%dma_wait3A_49 : memref<640x8xf32, #tpu.memory_space<hbm>>)
      tpu.yield
    }) : () -> ()
    return
  }
}

#map = affine_map<(d0, d1) -> (0, 0)>
#map1 = affine_map<(d0, d1) -> (0, 0, 0, 0)>
#map2 = affine_map<(d0, d1) -> (0, 0, 0)>
module attributes {stable_mosaic.version = 14 : i64} {
  func.func @seg(%arg0: i32, %arg1: i32, %arg2: memref<10000x48xf32, #tpu.memory_space<hbm>>, %arg3: memref<2x32x80x125xi32, #tpu.memory_space<hbm>>, %arg4: memref<640x48xf32, #tpu.memory_space<hbm>>, %arg5: memref<2x10240x48xf32, #tpu.memory_space<hbm>>, %arg6: memref<80x125xi32, #tpu.memory_space<vmem>>, %arg7: memref<80x125xi32, #tpu.memory_space<vmem>>, %arg8: memref<4x125x48xf32, #tpu.memory_space<vmem>>, %arg9: memref<10240x48xf32, #tpu.memory_space<vmem_shared>>, %arg10: memref<!tpu.dma_semaphore, #tpu.memory_space<semaphore_mem>>, %arg11: memref<!tpu.dma_semaphore, #tpu.memory_space<semaphore_mem>>, %arg12: memref<!tpu.dma_semaphore, #tpu.memory_space<semaphore_mem>>, %arg13: memref<!tpu.dma_semaphore, #tpu.memory_space<semaphore_mem>>, %arg14: memref<!tpu.dma_semaphore, #tpu.memory_space<semaphore_mem>>, %arg15: memref<!tpu.dma_semaphore, #tpu.memory_space<semaphore_mem>>, %arg16: memref<!tpu.dma_semaphore, #tpu.memory_space<semaphore_mem>>, %arg17: memref<!tpu.dma_semaphore, #tpu.memory_space<semaphore_mem>>) attributes {dimension_semantics = [#tpu.dimension_semantics<core_parallel>, #tpu.dimension_semantics<subcore_parallel>], iteration_bounds = array<i64: 2, 16>, scalar_prefetch = 0 : i64, scratch_operands = 12 : i64, tpu.core_type = #tpu.core_type<sc_vector_subcore>, window_params = [{transform_indices = #map}, {transform_indices = #map1}, {transform_indices = #map}, {transform_indices = #map2}]} {
    %mul3A = arith.constant 2 : i32
    %mul3A_0 = arith.muli %arg1, %mul3A : i32
    %add3A = arith.addi %mul3A_0, %arg0 : i32
    %dma_start3A = arith.constant 0 : i32
    %dma_start3A_1 = arith.constant 0 : i32
    %dma_start3A_2 = arith.constant 0 : i32
    %dma_start3A_3 = tpu.memref_slice %arg3[%dma_start3A, %add3A, %dma_start3A_1, %dma_start3A_2] : memref<2x32x80x125xi32, #tpu.memory_space<hbm>> -> memref<1x1x80x125xi32, #tpu.memory_space<hbm>>
    %dma_start3A_4 = tpu.memref_squeeze %dma_start3A_3 : memref<1x1x80x125xi32, #tpu.memory_space<hbm>> -> memref<80x125xi32, #tpu.memory_space<hbm>>
    %dma_start3A_5 = arith.constant 0 : i32
    %dma_start3A_6 = arith.constant 0 : i32
    %dma_start3A_7 = tpu.memref_slice %arg3[%dma_start3A, %add3A, %dma_start3A_5, %dma_start3A_6] : memref<2x32x80x125xi32, #tpu.memory_space<hbm>> -> memref<1x1x80x125xi32, #tpu.memory_space<hbm>>
    %dma_start3A_8 = tpu.memref_squeeze %dma_start3A_7 : memref<1x1x80x125xi32, #tpu.memory_space<hbm>> -> memref<80x125xi32, #tpu.memory_space<hbm>>
    tpu.enqueue_dma source(%dma_start3A_8 : memref<80x125xi32, #tpu.memory_space<hbm>>) target(%arg6 : memref<80x125xi32, #tpu.memory_space<vmem>>) target_semaphore(%arg10 : memref<!tpu.dma_semaphore, #tpu.memory_space<semaphore_mem>>)
    %dma_start3A_9 = arith.constant 1 : i32
    %dma_start3A_10 = arith.constant 0 : i32
    %dma_start3A_11 = arith.constant 0 : i32
    %dma_start3A_12 = tpu.memref_slice %arg3[%dma_start3A_9, %add3A, %dma_start3A_10, %dma_start3A_11] : memref<2x32x80x125xi32, #tpu.memory_space<hbm>> -> memref<1x1x80x125xi32, #tpu.memory_space<hbm>>
    %dma_start3A_13 = tpu.memref_squeeze %dma_start3A_12 : memref<1x1x80x125xi32, #tpu.memory_space<hbm>> -> memref<80x125xi32, #tpu.memory_space<hbm>>
    %dma_start3A_14 = arith.constant 0 : i32
    %dma_start3A_15 = arith.constant 0 : i32
    %dma_start3A_16 = tpu.memref_slice %arg3[%dma_start3A_9, %add3A, %dma_start3A_14, %dma_start3A_15] : memref<2x32x80x125xi32, #tpu.memory_space<hbm>> -> memref<1x1x80x125xi32, #tpu.memory_space<hbm>>
    %dma_start3A_17 = tpu.memref_squeeze %dma_start3A_16 : memref<1x1x80x125xi32, #tpu.memory_space<hbm>> -> memref<80x125xi32, #tpu.memory_space<hbm>>
    tpu.enqueue_dma source(%dma_start3A_17 : memref<80x125xi32, #tpu.memory_space<hbm>>) target(%arg7 : memref<80x125xi32, #tpu.memory_space<vmem>>) target_semaphore(%arg11 : memref<!tpu.dma_semaphore, #tpu.memory_space<semaphore_mem>>)
    %mul3A_18 = arith.constant 640 : i32
    %mul3A_19 = arith.muli %arg1, %mul3A_18 : i32
    %dma_start3A_20 = arith.constant 0 : i32
    %dma_start3A_21 = tpu.memref_slice %arg9[%mul3A_19, %dma_start3A_20] : memref<10240x48xf32, #tpu.memory_space<vmem_shared>> -> memref<640x48xf32, #tpu.memory_space<vmem_shared>>
    tpu.enqueue_dma source(%arg4 : memref<640x48xf32, #tpu.memory_space<hbm>>) target(%dma_start3A_21 : memref<640x48xf32, #tpu.memory_space<vmem_shared>>) target_semaphore(%arg12 : memref<!tpu.dma_semaphore, #tpu.memory_space<semaphore_mem>>)
    %dma_wait3A = arith.constant 0 : i32
    %dma_wait3A_22 = arith.constant 0 : i32
    %dma_wait3A_23 = arith.constant 0 : i32
    %dma_wait3A_24 = tpu.memref_slice %arg3[%dma_wait3A, %add3A, %dma_wait3A_22, %dma_wait3A_23] : memref<2x32x80x125xi32, #tpu.memory_space<hbm>> -> memref<1x1x80x125xi32, #tpu.memory_space<hbm>>
    %dma_wait3A_25 = tpu.memref_squeeze %dma_wait3A_24 : memref<1x1x80x125xi32, #tpu.memory_space<hbm>> -> memref<80x125xi32, #tpu.memory_space<hbm>>
    %dma_wait3A_26 = arith.constant 0 : i32
    %dma_wait3A_27 = arith.constant 0 : i32
    %dma_wait3A_28 = tpu.memref_slice %arg3[%dma_wait3A, %add3A, %dma_wait3A_26, %dma_wait3A_27] : memref<2x32x80x125xi32, #tpu.memory_space<hbm>> -> memref<1x1x80x125xi32, #tpu.memory_space<hbm>>
    %dma_wait3A_29 = tpu.memref_squeeze %dma_wait3A_28 : memref<1x1x80x125xi32, #tpu.memory_space<hbm>> -> memref<80x125xi32, #tpu.memory_space<hbm>>
    tpu.wait_dma2 semaphore(%arg10 : memref<!tpu.dma_semaphore, #tpu.memory_space<semaphore_mem>>) src(%dma_wait3A_29 : memref<80x125xi32, #tpu.memory_space<hbm>>) dst(%arg6 : memref<80x125xi32, #tpu.memory_space<vmem>>)
    %dma_wait3A_30 = arith.constant 1 : i32
    %dma_wait3A_31 = arith.constant 0 : i32
    %dma_wait3A_32 = arith.constant 0 : i32
    %dma_wait3A_33 = tpu.memref_slice %arg3[%dma_wait3A_30, %add3A, %dma_wait3A_31, %dma_wait3A_32] : memref<2x32x80x125xi32, #tpu.memory_space<hbm>> -> memref<1x1x80x125xi32, #tpu.memory_space<hbm>>
    %dma_wait3A_34 = tpu.memref_squeeze %dma_wait3A_33 : memref<1x1x80x125xi32, #tpu.memory_space<hbm>> -> memref<80x125xi32, #tpu.memory_space<hbm>>
    %dma_wait3A_35 = arith.constant 0 : i32
    %dma_wait3A_36 = arith.constant 0 : i32
    %dma_wait3A_37 = tpu.memref_slice %arg3[%dma_wait3A_30, %add3A, %dma_wait3A_35, %dma_wait3A_36] : memref<2x32x80x125xi32, #tpu.memory_space<hbm>> -> memref<1x1x80x125xi32, #tpu.memory_space<hbm>>
    %dma_wait3A_38 = tpu.memref_squeeze %dma_wait3A_37 : memref<1x1x80x125xi32, #tpu.memory_space<hbm>> -> memref<80x125xi32, #tpu.memory_space<hbm>>
    tpu.wait_dma2 semaphore(%arg11 : memref<!tpu.dma_semaphore, #tpu.memory_space<semaphore_mem>>) src(%dma_wait3A_38 : memref<80x125xi32, #tpu.memory_space<hbm>>) dst(%arg7 : memref<80x125xi32, #tpu.memory_space<vmem>>)
    %mul3A_39 = arith.constant 640 : i32
    %mul3A_40 = arith.muli %arg1, %mul3A_39 : i32
    %dma_wait3A_41 = arith.constant 0 : i32
    %dma_wait3A_42 = tpu.memref_slice %arg9[%mul3A_40, %dma_wait3A_41] : memref<10240x48xf32, #tpu.memory_space<vmem_shared>> -> memref<640x48xf32, #tpu.memory_space<vmem_shared>>
    tpu.wait_dma2 semaphore(%arg12 : memref<!tpu.dma_semaphore, #tpu.memory_space<semaphore_mem>>) src(%arg4 : memref<640x48xf32, #tpu.memory_space<hbm>>) dst(%dma_wait3A_42 : memref<640x48xf32, #tpu.memory_space<vmem_shared>>)
    %barrier3A = arith.constant 0 : index
    tpu.barrier barrier_id(%barrier3A)
    %dma_start3A_43 = arith.constant 0 : i32
    %dma_start3A_44 = arith.constant 0 : i32
    %dma_start3A_45 = arith.constant 0 : i32
    %dma_start3A_46 = arith.constant 0 : i32
    %dma_start3A_47 = tpu.memref_slice %arg8[%dma_start3A_44, %dma_start3A_45, %dma_start3A_46] : memref<4x125x48xf32, #tpu.memory_space<vmem>> -> memref<1x125x48xf32, #tpu.memory_space<vmem>>
    %dma_start3A_48 = tpu.memref_squeeze %dma_start3A_47 : memref<1x125x48xf32, #tpu.memory_space<vmem>> -> memref<125x48xf32, #tpu.memory_space<vmem>>
    %dma_start3A_49 = arith.constant 0 : i32
    %dma_start3A_50 = tpu.memref_slice %arg6[%dma_start3A_43, %dma_start3A_49] : memref<80x125xi32, #tpu.memory_space<vmem>> -> memref<1x125xi32, #tpu.memory_space<vmem>>
    %dma_start3A_51 = tpu.memref_squeeze %dma_start3A_50 : memref<1x125xi32, #tpu.memory_space<vmem>> -> memref<125xi32, #tpu.memory_space<vmem>>
    %dma_start3A_52 = arith.constant 0 : i32
    %dma_start3A_53 = arith.constant 0 : i32
    %dma_start3A_54 = tpu.memref_slice %arg2[%dma_start3A_52, %dma_start3A_53] : memref<10000x48xf32, #tpu.memory_space<hbm>> -> memref<10000x48xf32, #tpu.memory_space<hbm>>
    tpu.enqueue_indirect_dma source(%dma_start3A_54 : memref<10000x48xf32, #tpu.memory_space<hbm>>) target(%dma_start3A_48 : memref<125x48xf32, #tpu.memory_space<vmem>>) offsets(%dma_start3A_51 : memref<125xi32, #tpu.memory_space<vmem>>) semaphore(%arg10 : memref<!tpu.dma_semaphore, #tpu.memory_space<semaphore_mem>>)
    %dma_start3A_55 = arith.constant 1 : i32
    %dma_start3A_56 = arith.constant 1 : i32
    %dma_start3A_57 = arith.constant 0 : i32
    %dma_start3A_58 = arith.constant 0 : i32
    %dma_start3A_59 = tpu.memref_slice %arg8[%dma_start3A_56, %dma_start3A_57, %dma_start3A_58] : memref<4x125x48xf32, #tpu.memory_space<vmem>> -> memref<1x125x48xf32, #tpu.memory_space<vmem>>
    %dma_start3A_60 = tpu.memref_squeeze %dma_start3A_59 : memref<1x125x48xf32, #tpu.memory_space<vmem>> -> memref<125x48xf32, #tpu.memory_space<vmem>>
    %dma_start3A_61 = arith.constant 0 : i32
    %dma_start3A_62 = tpu.memref_slice %arg6[%dma_start3A_55, %dma_start3A_61] : memref<80x125xi32, #tpu.memory_space<vmem>> -> memref<1x125xi32, #tpu.memory_space<vmem>>
    %dma_start3A_63 = tpu.memref_squeeze %dma_start3A_62 : memref<1x125xi32, #tpu.memory_space<vmem>> -> memref<125xi32, #tpu.memory_space<vmem>>
    %dma_start3A_64 = arith.constant 0 : i32
    %dma_start3A_65 = arith.constant 0 : i32
    %dma_start3A_66 = tpu.memref_slice %arg2[%dma_start3A_64, %dma_start3A_65] : memref<10000x48xf32, #tpu.memory_space<hbm>> -> memref<10000x48xf32, #tpu.memory_space<hbm>>
    tpu.enqueue_indirect_dma source(%dma_start3A_66 : memref<10000x48xf32, #tpu.memory_space<hbm>>) target(%dma_start3A_60 : memref<125x48xf32, #tpu.memory_space<vmem>>) offsets(%dma_start3A_63 : memref<125xi32, #tpu.memory_space<vmem>>) semaphore(%arg11 : memref<!tpu.dma_semaphore, #tpu.memory_space<semaphore_mem>>)
    %scan3A = arith.constant 0 : i32
    %scan3A_67 = arith.constant 0 : i32
    %scan3A_68 = arith.constant 20 : i32
    %scan3A_69 = arith.addi %scan3A_67, %scan3A_68 : i32
    %scan3A_70 = arith.constant 1 : i32
    scf.for %scan3A_125 = %scan3A_67 to %scan3A_69 step %scan3A_70  : i32 {
      %mul3A_126 = arith.constant 4 : i32
      %mul3A_127 = arith.muli %mul3A_126, %scan3A_125 : i32
      %add3A_128 = arith.constant 0 : i32
      %add3A_129 = arith.addi %mul3A_127, %add3A_128 : i32
      %dma_wait3A_130 = arith.constant 0 : i32
      %dma_wait3A_131 = arith.constant 0 : i32
      %dma_wait3A_132 = arith.constant 0 : i32
      %dma_wait3A_133 = tpu.memref_slice %arg8[%dma_wait3A_130, %dma_wait3A_131, %dma_wait3A_132] : memref<4x125x48xf32, #tpu.memory_space<vmem>> -> memref<1x125x48xf32, #tpu.memory_space<vmem>>
      %dma_wait3A_134 = tpu.memref_squeeze %dma_wait3A_133 : memref<1x125x48xf32, #tpu.memory_space<vmem>> -> memref<125x48xf32, #tpu.memory_space<vmem>>
      %dma_wait3A_135 = arith.constant 0 : i32
      %dma_wait3A_136 = tpu.memref_slice %arg6[%add3A_129, %dma_wait3A_135] : memref<80x125xi32, #tpu.memory_space<vmem>> -> memref<1x125xi32, #tpu.memory_space<vmem>>
      %dma_wait3A_137 = tpu.memref_squeeze %dma_wait3A_136 : memref<1x125xi32, #tpu.memory_space<vmem>> -> memref<125xi32, #tpu.memory_space<vmem>>
      %dma_wait3A_138 = arith.constant 0 : i32
      %dma_wait3A_139 = arith.constant 0 : i32
      %dma_wait3A_140 = tpu.memref_slice %arg2[%dma_wait3A_138, %dma_wait3A_139] : memref<10000x48xf32, #tpu.memory_space<hbm>> -> memref<10000x48xf32, #tpu.memory_space<hbm>>
      tpu.wait_indirect_dma semaphore(%arg10 : memref<!tpu.dma_semaphore, #tpu.memory_space<semaphore_mem>>) src(%dma_wait3A_140 : memref<10000x48xf32, #tpu.memory_space<hbm>>) dst(%dma_wait3A_134 : memref<125x48xf32, #tpu.memory_space<vmem>>)
      %dma_start3A_141 = arith.constant 0 : i32
      %dma_start3A_142 = arith.constant 0 : i32
      %dma_start3A_143 = arith.constant 0 : i32
      %dma_start3A_144 = tpu.memref_slice %arg8[%dma_start3A_141, %dma_start3A_142, %dma_start3A_143] : memref<4x125x48xf32, #tpu.memory_space<vmem>> -> memref<1x125x48xf32, #tpu.memory_space<vmem>>
      %dma_start3A_145 = tpu.memref_squeeze %dma_start3A_144 : memref<1x125x48xf32, #tpu.memory_space<vmem>> -> memref<125x48xf32, #tpu.memory_space<vmem>>
      %dma_start3A_146 = arith.constant 0 : i32
      %dma_start3A_147 = tpu.memref_slice %arg7[%add3A_129, %dma_start3A_146] : memref<80x125xi32, #tpu.memory_space<vmem>> -> memref<1x125xi32, #tpu.memory_space<vmem>>
      %dma_start3A_148 = tpu.memref_squeeze %dma_start3A_147 : memref<1x125xi32, #tpu.memory_space<vmem>> -> memref<125xi32, #tpu.memory_space<vmem>>
      %dma_start3A_149 = arith.constant 0 : i32
      %dma_start3A_150 = arith.constant 0 : i32
      %dma_start3A_151 = tpu.memref_slice %arg9[%dma_start3A_149, %dma_start3A_150] : memref<10240x48xf32, #tpu.memory_space<vmem_shared>> -> memref<10240x48xf32, #tpu.memory_space<vmem_shared>>
      tpu.enqueue_indirect_dma source(%dma_start3A_145 : memref<125x48xf32, #tpu.memory_space<vmem>>) target(%dma_start3A_151 : memref<10240x48xf32, #tpu.memory_space<vmem_shared>>) offsets(%dma_start3A_148 : memref<125xi32, #tpu.memory_space<vmem>>) semaphore(%arg14 : memref<!tpu.dma_semaphore, #tpu.memory_space<semaphore_mem>>) {add = true}
      %eq3A = arith.constant 0 : i32
      %eq3A_152 = arith.cmpi eq, %scan3A_125, %eq3A : i32
      %convert_element_type3A = arith.extui %eq3A_152 : i1 to i32
      %cond3A = arith.constant 0 : i32
      %cond3A_153 = arith.cmpi ne, %convert_element_type3A, %cond3A : i32
      scf.if %cond3A_153 {
        %dma_start3A_255 = arith.constant 2 : i32
        %dma_start3A_256 = arith.constant 2 : i32
        %dma_start3A_257 = arith.constant 0 : i32
        %dma_start3A_258 = arith.constant 0 : i32
        %dma_start3A_259 = tpu.memref_slice %arg8[%dma_start3A_256, %dma_start3A_257, %dma_start3A_258] : memref<4x125x48xf32, #tpu.memory_space<vmem>> -> memref<1x125x48xf32, #tpu.memory_space<vmem>>
        %dma_start3A_260 = tpu.memref_squeeze %dma_start3A_259 : memref<1x125x48xf32, #tpu.memory_space<vmem>> -> memref<125x48xf32, #tpu.memory_space<vmem>>
        %dma_start3A_261 = arith.constant 0 : i32
        %dma_start3A_262 = tpu.memref_slice %arg6[%dma_start3A_255, %dma_start3A_261] : memref<80x125xi32, #tpu.memory_space<vmem>> -> memref<1x125xi32, #tpu.memory_space<vmem>>
        %dma_start3A_263 = tpu.memref_squeeze %dma_start3A_262 : memref<1x125xi32, #tpu.memory_space<vmem>> -> memref<125xi32, #tpu.memory_space<vmem>>
        %dma_start3A_264 = arith.constant 0 : i32
        %dma_start3A_265 = arith.constant 0 : i32
        %dma_start3A_266 = tpu.memref_slice %arg2[%dma_start3A_264, %dma_start3A_265] : memref<10000x48xf32, #tpu.memory_space<hbm>> -> memref<10000x48xf32, #tpu.memory_space<hbm>>
        tpu.enqueue_indirect_dma source(%dma_start3A_266 : memref<10000x48xf32, #tpu.memory_space<hbm>>) target(%dma_start3A_260 : memref<125x48xf32, #tpu.memory_space<vmem>>) offsets(%dma_start3A_263 : memref<125xi32, #tpu.memory_space<vmem>>) semaphore(%arg12 : memref<!tpu.dma_semaphore, #tpu.memory_space<semaphore_mem>>)
      } else {
      }
      %ge3A = arith.constant 1 : i32
      %ge3A_154 = arith.cmpi sge, %scan3A_125, %ge3A : i32
      %convert_element_type3A_155 = arith.extui %ge3A_154 : i1 to i32
      %cond3A_156 = arith.constant 0 : i32
      %cond3A_157 = arith.cmpi ne, %convert_element_type3A_155, %cond3A_156 : i32
      scf.if %cond3A_157 {
        %sub3A = arith.constant 2 : i32
        %sub3A_255 = arith.subi %add3A_129, %sub3A : i32
        %dma_wait3A_256 = arith.constant 2 : i32
        %dma_wait3A_257 = arith.constant 0 : i32
        %dma_wait3A_258 = arith.constant 0 : i32
        %dma_wait3A_259 = tpu.memref_slice %arg8[%dma_wait3A_256, %dma_wait3A_257, %dma_wait3A_258] : memref<4x125x48xf32, #tpu.memory_space<vmem>> -> memref<1x125x48xf32, #tpu.memory_space<vmem>>
        %dma_wait3A_260 = tpu.memref_squeeze %dma_wait3A_259 : memref<1x125x48xf32, #tpu.memory_space<vmem>> -> memref<125x48xf32, #tpu.memory_space<vmem>>
        %dma_wait3A_261 = arith.constant 0 : i32
        %dma_wait3A_262 = tpu.memref_slice %arg7[%sub3A_255, %dma_wait3A_261] : memref<80x125xi32, #tpu.memory_space<vmem>> -> memref<1x125xi32, #tpu.memory_space<vmem>>
        %dma_wait3A_263 = tpu.memref_squeeze %dma_wait3A_262 : memref<1x125xi32, #tpu.memory_space<vmem>> -> memref<125xi32, #tpu.memory_space<vmem>>
        %dma_wait3A_264 = arith.constant 0 : i32
        %dma_wait3A_265 = arith.constant 0 : i32
        %dma_wait3A_266 = tpu.memref_slice %arg9[%dma_wait3A_264, %dma_wait3A_265] : memref<10240x48xf32, #tpu.memory_space<vmem_shared>> -> memref<10240x48xf32, #tpu.memory_space<vmem_shared>>
        tpu.wait_indirect_dma semaphore(%arg16 : memref<!tpu.dma_semaphore, #tpu.memory_space<semaphore_mem>>) src(%dma_wait3A_260 : memref<125x48xf32, #tpu.memory_space<vmem>>) dst(%dma_wait3A_266 : memref<10240x48xf32, #tpu.memory_space<vmem_shared>>)
        %add3A_267 = arith.constant 2 : i32
        %add3A_268 = arith.addi %add3A_129, %add3A_267 : i32
        %dma_start3A_269 = arith.constant 2 : i32
        %dma_start3A_270 = arith.constant 0 : i32
        %dma_start3A_271 = arith.constant 0 : i32
        %dma_start3A_272 = tpu.memref_slice %arg8[%dma_start3A_269, %dma_start3A_270, %dma_start3A_271] : memref<4x125x48xf32, #tpu.memory_space<vmem>> -> memref<1x125x48xf32, #tpu.memory_space<vmem>>
        %dma_start3A_273 = tpu.memref_squeeze %dma_start3A_272 : memref<1x125x48xf32, #tpu.memory_space<vmem>> -> memref<125x48xf32, #tpu.memory_space<vmem>>
        %dma_start3A_274 = arith.constant 0 : i32
        %dma_start3A_275 = tpu.memref_slice %arg6[%add3A_268, %dma_start3A_274] : memref<80x125xi32, #tpu.memory_space<vmem>> -> memref<1x125xi32, #tpu.memory_space<vmem>>
        %dma_start3A_276 = tpu.memref_squeeze %dma_start3A_275 : memref<1x125xi32, #tpu.memory_space<vmem>> -> memref<125xi32, #tpu.memory_space<vmem>>
        %dma_start3A_277 = arith.constant 0 : i32
        %dma_start3A_278 = arith.constant 0 : i32
        %dma_start3A_279 = tpu.memref_slice %arg2[%dma_start3A_277, %dma_start3A_278] : memref<10000x48xf32, #tpu.memory_space<hbm>> -> memref<10000x48xf32, #tpu.memory_space<hbm>>
        tpu.enqueue_indirect_dma source(%dma_start3A_279 : memref<10000x48xf32, #tpu.memory_space<hbm>>) target(%dma_start3A_273 : memref<125x48xf32, #tpu.memory_space<vmem>>) offsets(%dma_start3A_276 : memref<125xi32, #tpu.memory_space<vmem>>) semaphore(%arg12 : memref<!tpu.dma_semaphore, #tpu.memory_space<semaphore_mem>>)
      } else {
      }
      %mul3A_158 = arith.constant 4 : i32
      %mul3A_159 = arith.muli %mul3A_158, %scan3A_125 : i32
      %add3A_160 = arith.constant 1 : i32
      %add3A_161 = arith.addi %mul3A_159, %add3A_160 : i32
      %dma_wait3A_162 = arith.constant 1 : i32
      %dma_wait3A_163 = arith.constant 0 : i32
      %dma_wait3A_164 = arith.constant 0 : i32
      %dma_wait3A_165 = tpu.memref_slice %arg8[%dma_wait3A_162, %dma_wait3A_163, %dma_wait3A_164] : memref<4x125x48xf32, #tpu.memory_space<vmem>> -> memref<1x125x48xf32, #tpu.memory_space<vmem>>
      %dma_wait3A_166 = tpu.memref_squeeze %dma_wait3A_165 : memref<1x125x48xf32, #tpu.memory_space<vmem>> -> memref<125x48xf32, #tpu.memory_space<vmem>>
      %dma_wait3A_167 = arith.constant 0 : i32
      %dma_wait3A_168 = tpu.memref_slice %arg6[%add3A_161, %dma_wait3A_167] : memref<80x125xi32, #tpu.memory_space<vmem>> -> memref<1x125xi32, #tpu.memory_space<vmem>>
      %dma_wait3A_169 = tpu.memref_squeeze %dma_wait3A_168 : memref<1x125xi32, #tpu.memory_space<vmem>> -> memref<125xi32, #tpu.memory_space<vmem>>
      %dma_wait3A_170 = arith.constant 0 : i32
      %dma_wait3A_171 = arith.constant 0 : i32
      %dma_wait3A_172 = tpu.memref_slice %arg2[%dma_wait3A_170, %dma_wait3A_171] : memref<10000x48xf32, #tpu.memory_space<hbm>> -> memref<10000x48xf32, #tpu.memory_space<hbm>>
      tpu.wait_indirect_dma semaphore(%arg11 : memref<!tpu.dma_semaphore, #tpu.memory_space<semaphore_mem>>) src(%dma_wait3A_172 : memref<10000x48xf32, #tpu.memory_space<hbm>>) dst(%dma_wait3A_166 : memref<125x48xf32, #tpu.memory_space<vmem>>)
      %dma_start3A_173 = arith.constant 1 : i32
      %dma_start3A_174 = arith.constant 0 : i32
      %dma_start3A_175 = arith.constant 0 : i32
      %dma_start3A_176 = tpu.memref_slice %arg8[%dma_start3A_173, %dma_start3A_174, %dma_start3A_175] : memref<4x125x48xf32, #tpu.memory_space<vmem>> -> memref<1x125x48xf32, #tpu.memory_space<vmem>>
      %dma_start3A_177 = tpu.memref_squeeze %dma_start3A_176 : memref<1x125x48xf32, #tpu.memory_space<vmem>> -> memref<125x48xf32, #tpu.memory_space<vmem>>
      %dma_start3A_178 = arith.constant 0 : i32
      %dma_start3A_179 = tpu.memref_slice %arg7[%add3A_161, %dma_start3A_178] : memref<80x125xi32, #tpu.memory_space<vmem>> -> memref<1x125xi32, #tpu.memory_space<vmem>>
      %dma_start3A_180 = tpu.memref_squeeze %dma_start3A_179 : memref<1x125xi32, #tpu.memory_space<vmem>> -> memref<125xi32, #tpu.memory_space<vmem>>
      %dma_start3A_181 = arith.constant 0 : i32
      %dma_start3A_182 = arith.constant 0 : i32
      %dma_start3A_183 = tpu.memref_slice %arg9[%dma_start3A_181, %dma_start3A_182] : memref<10240x48xf32, #tpu.memory_space<vmem_shared>> -> memref<10240x48xf32, #tpu.memory_space<vmem_shared>>
      tpu.enqueue_indirect_dma source(%dma_start3A_177 : memref<125x48xf32, #tpu.memory_space<vmem>>) target(%dma_start3A_183 : memref<10240x48xf32, #tpu.memory_space<vmem_shared>>) offsets(%dma_start3A_180 : memref<125xi32, #tpu.memory_space<vmem>>) semaphore(%arg15 : memref<!tpu.dma_semaphore, #tpu.memory_space<semaphore_mem>>) {add = true}
      %eq3A_184 = arith.constant 0 : i32
      %eq3A_185 = arith.cmpi eq, %scan3A_125, %eq3A_184 : i32
      %convert_element_type3A_186 = arith.extui %eq3A_185 : i1 to i32
      %cond3A_187 = arith.constant 0 : i32
      %cond3A_188 = arith.cmpi ne, %convert_element_type3A_186, %cond3A_187 : i32
      scf.if %cond3A_188 {
        %dma_start3A_255 = arith.constant 3 : i32
        %dma_start3A_256 = arith.constant 3 : i32
        %dma_start3A_257 = arith.constant 0 : i32
        %dma_start3A_258 = arith.constant 0 : i32
        %dma_start3A_259 = tpu.memref_slice %arg8[%dma_start3A_256, %dma_start3A_257, %dma_start3A_258] : memref<4x125x48xf32, #tpu.memory_space<vmem>> -> memref<1x125x48xf32, #tpu.memory_space<vmem>>
        %dma_start3A_260 = tpu.memref_squeeze %dma_start3A_259 : memref<1x125x48xf32, #tpu.memory_space<vmem>> -> memref<125x48xf32, #tpu.memory_space<vmem>>
        %dma_start3A_261 = arith.constant 0 : i32
        %dma_start3A_262 = tpu.memref_slice %arg6[%dma_start3A_255, %dma_start3A_261] : memref<80x125xi32, #tpu.memory_space<vmem>> -> memref<1x125xi32, #tpu.memory_space<vmem>>
        %dma_start3A_263 = tpu.memref_squeeze %dma_start3A_262 : memref<1x125xi32, #tpu.memory_space<vmem>> -> memref<125xi32, #tpu.memory_space<vmem>>
        %dma_start3A_264 = arith.constant 0 : i32
        %dma_start3A_265 = arith.constant 0 : i32
        %dma_start3A_266 = tpu.memref_slice %arg2[%dma_start3A_264, %dma_start3A_265] : memref<10000x48xf32, #tpu.memory_space<hbm>> -> memref<10000x48xf32, #tpu.memory_space<hbm>>
        tpu.enqueue_indirect_dma source(%dma_start3A_266 : memref<10000x48xf32, #tpu.memory_space<hbm>>) target(%dma_start3A_260 : memref<125x48xf32, #tpu.memory_space<vmem>>) offsets(%dma_start3A_263 : memref<125xi32, #tpu.memory_space<vmem>>) semaphore(%arg13 : memref<!tpu.dma_semaphore, #tpu.memory_space<semaphore_mem>>)
      } else {
      }
      %ge3A_189 = arith.constant 1 : i32
      %ge3A_190 = arith.cmpi sge, %scan3A_125, %ge3A_189 : i32
      %convert_element_type3A_191 = arith.extui %ge3A_190 : i1 to i32
      %cond3A_192 = arith.constant 0 : i32
      %cond3A_193 = arith.cmpi ne, %convert_element_type3A_191, %cond3A_192 : i32
      scf.if %cond3A_193 {
        %sub3A = arith.constant 2 : i32
        %sub3A_255 = arith.subi %add3A_161, %sub3A : i32
        %dma_wait3A_256 = arith.constant 3 : i32
        %dma_wait3A_257 = arith.constant 0 : i32
        %dma_wait3A_258 = arith.constant 0 : i32
        %dma_wait3A_259 = tpu.memref_slice %arg8[%dma_wait3A_256, %dma_wait3A_257, %dma_wait3A_258] : memref<4x125x48xf32, #tpu.memory_space<vmem>> -> memref<1x125x48xf32, #tpu.memory_space<vmem>>
        %dma_wait3A_260 = tpu.memref_squeeze %dma_wait3A_259 : memref<1x125x48xf32, #tpu.memory_space<vmem>> -> memref<125x48xf32, #tpu.memory_space<vmem>>
        %dma_wait3A_261 = arith.constant 0 : i32
        %dma_wait3A_262 = tpu.memref_slice %arg7[%sub3A_255, %dma_wait3A_261] : memref<80x125xi32, #tpu.memory_space<vmem>> -> memref<1x125xi32, #tpu.memory_space<vmem>>
        %dma_wait3A_263 = tpu.memref_squeeze %dma_wait3A_262 : memref<1x125xi32, #tpu.memory_space<vmem>> -> memref<125xi32, #tpu.memory_space<vmem>>
        %dma_wait3A_264 = arith.constant 0 : i32
        %dma_wait3A_265 = arith.constant 0 : i32
        %dma_wait3A_266 = tpu.memref_slice %arg9[%dma_wait3A_264, %dma_wait3A_265] : memref<10240x48xf32, #tpu.memory_space<vmem_shared>> -> memref<10240x48xf32, #tpu.memory_space<vmem_shared>>
        tpu.wait_indirect_dma semaphore(%arg17 : memref<!tpu.dma_semaphore, #tpu.memory_space<semaphore_mem>>) src(%dma_wait3A_260 : memref<125x48xf32, #tpu.memory_space<vmem>>) dst(%dma_wait3A_266 : memref<10240x48xf32, #tpu.memory_space<vmem_shared>>)
        %add3A_267 = arith.constant 2 : i32
        %add3A_268 = arith.addi %add3A_161, %add3A_267 : i32
        %dma_start3A_269 = arith.constant 3 : i32
        %dma_start3A_270 = arith.constant 0 : i32
        %dma_start3A_271 = arith.constant 0 : i32
        %dma_start3A_272 = tpu.memref_slice %arg8[%dma_start3A_269, %dma_start3A_270, %dma_start3A_271] : memref<4x125x48xf32, #tpu.memory_space<vmem>> -> memref<1x125x48xf32, #tpu.memory_space<vmem>>
        %dma_start3A_273 = tpu.memref_squeeze %dma_start3A_272 : memref<1x125x48xf32, #tpu.memory_space<vmem>> -> memref<125x48xf32, #tpu.memory_space<vmem>>
        %dma_start3A_274 = arith.constant 0 : i32
        %dma_start3A_275 = tpu.memref_slice %arg6[%add3A_268, %dma_start3A_274] : memref<80x125xi32, #tpu.memory_space<vmem>> -> memref<1x125xi32, #tpu.memory_space<vmem>>
        %dma_start3A_276 = tpu.memref_squeeze %dma_start3A_275 : memref<1x125xi32, #tpu.memory_space<vmem>> -> memref<125xi32, #tpu.memory_space<vmem>>
        %dma_start3A_277 = arith.constant 0 : i32
        %dma_start3A_278 = arith.constant 0 : i32
        %dma_start3A_279 = tpu.memref_slice %arg2[%dma_start3A_277, %dma_start3A_278] : memref<10000x48xf32, #tpu.memory_space<hbm>> -> memref<10000x48xf32, #tpu.memory_space<hbm>>
        tpu.enqueue_indirect_dma source(%dma_start3A_279 : memref<10000x48xf32, #tpu.memory_space<hbm>>) target(%dma_start3A_273 : memref<125x48xf32, #tpu.memory_space<vmem>>) offsets(%dma_start3A_276 : memref<125xi32, #tpu.memory_space<vmem>>) semaphore(%arg13 : memref<!tpu.dma_semaphore, #tpu.memory_space<semaphore_mem>>)
      } else {
      }
      %mul3A_194 = arith.constant 4 : i32
      %mul3A_195 = arith.muli %mul3A_194, %scan3A_125 : i32
      %add3A_196 = arith.constant 2 : i32
      %add3A_197 = arith.addi %mul3A_195, %add3A_196 : i32
      %dma_wait3A_198 = arith.constant 2 : i32
      %dma_wait3A_199 = arith.constant 0 : i32
      %dma_wait3A_200 = arith.constant 0 : i32
      %dma_wait3A_201 = tpu.memref_slice %arg8[%dma_wait3A_198, %dma_wait3A_199, %dma_wait3A_200] : memref<4x125x48xf32, #tpu.memory_space<vmem>> -> memref<1x125x48xf32, #tpu.memory_space<vmem>>
      %dma_wait3A_202 = tpu.memref_squeeze %dma_wait3A_201 : memref<1x125x48xf32, #tpu.memory_space<vmem>> -> memref<125x48xf32, #tpu.memory_space<vmem>>
      %dma_wait3A_203 = arith.constant 0 : i32
      %dma_wait3A_204 = tpu.memref_slice %arg6[%add3A_197, %dma_wait3A_203] : memref<80x125xi32, #tpu.memory_space<vmem>> -> memref<1x125xi32, #tpu.memory_space<vmem>>
      %dma_wait3A_205 = tpu.memref_squeeze %dma_wait3A_204 : memref<1x125xi32, #tpu.memory_space<vmem>> -> memref<125xi32, #tpu.memory_space<vmem>>
      %dma_wait3A_206 = arith.constant 0 : i32
      %dma_wait3A_207 = arith.constant 0 : i32
      %dma_wait3A_208 = tpu.memref_slice %arg2[%dma_wait3A_206, %dma_wait3A_207] : memref<10000x48xf32, #tpu.memory_space<hbm>> -> memref<10000x48xf32, #tpu.memory_space<hbm>>
      tpu.wait_indirect_dma semaphore(%arg12 : memref<!tpu.dma_semaphore, #tpu.memory_space<semaphore_mem>>) src(%dma_wait3A_208 : memref<10000x48xf32, #tpu.memory_space<hbm>>) dst(%dma_wait3A_202 : memref<125x48xf32, #tpu.memory_space<vmem>>)
      %dma_start3A_209 = arith.constant 2 : i32
      %dma_start3A_210 = arith.constant 0 : i32
      %dma_start3A_211 = arith.constant 0 : i32
      %dma_start3A_212 = tpu.memref_slice %arg8[%dma_start3A_209, %dma_start3A_210, %dma_start3A_211] : memref<4x125x48xf32, #tpu.memory_space<vmem>> -> memref<1x125x48xf32, #tpu.memory_space<vmem>>
      %dma_start3A_213 = tpu.memref_squeeze %dma_start3A_212 : memref<1x125x48xf32, #tpu.memory_space<vmem>> -> memref<125x48xf32, #tpu.memory_space<vmem>>
      %dma_start3A_214 = arith.constant 0 : i32
      %dma_start3A_215 = tpu.memref_slice %arg7[%add3A_197, %dma_start3A_214] : memref<80x125xi32, #tpu.memory_space<vmem>> -> memref<1x125xi32, #tpu.memory_space<vmem>>
      %dma_start3A_216 = tpu.memref_squeeze %dma_start3A_215 : memref<1x125xi32, #tpu.memory_space<vmem>> -> memref<125xi32, #tpu.memory_space<vmem>>
      %dma_start3A_217 = arith.constant 0 : i32
      %dma_start3A_218 = arith.constant 0 : i32
      %dma_start3A_219 = tpu.memref_slice %arg9[%dma_start3A_217, %dma_start3A_218] : memref<10240x48xf32, #tpu.memory_space<vmem_shared>> -> memref<10240x48xf32, #tpu.memory_space<vmem_shared>>
      tpu.enqueue_indirect_dma source(%dma_start3A_213 : memref<125x48xf32, #tpu.memory_space<vmem>>) target(%dma_start3A_219 : memref<10240x48xf32, #tpu.memory_space<vmem_shared>>) offsets(%dma_start3A_216 : memref<125xi32, #tpu.memory_space<vmem>>) semaphore(%arg16 : memref<!tpu.dma_semaphore, #tpu.memory_space<semaphore_mem>>) {add = true}
      %le3A = arith.constant 18 : i32
      %le3A_220 = arith.cmpi sle, %scan3A_125, %le3A : i32
      %convert_element_type3A_221 = arith.extui %le3A_220 : i1 to i32
      %cond3A_222 = arith.constant 0 : i32
      %cond3A_223 = arith.cmpi ne, %convert_element_type3A_221, %cond3A_222 : i32
      scf.if %cond3A_223 {
        %sub3A = arith.constant 2 : i32
        %sub3A_255 = arith.subi %add3A_197, %sub3A : i32
        %dma_wait3A_256 = arith.constant 0 : i32
        %dma_wait3A_257 = arith.constant 0 : i32
        %dma_wait3A_258 = arith.constant 0 : i32
        %dma_wait3A_259 = tpu.memref_slice %arg8[%dma_wait3A_256, %dma_wait3A_257, %dma_wait3A_258] : memref<4x125x48xf32, #tpu.memory_space<vmem>> -> memref<1x125x48xf32, #tpu.memory_space<vmem>>
        %dma_wait3A_260 = tpu.memref_squeeze %dma_wait3A_259 : memref<1x125x48xf32, #tpu.memory_space<vmem>> -> memref<125x48xf32, #tpu.memory_space<vmem>>
        %dma_wait3A_261 = arith.constant 0 : i32
        %dma_wait3A_262 = tpu.memref_slice %arg7[%sub3A_255, %dma_wait3A_261] : memref<80x125xi32, #tpu.memory_space<vmem>> -> memref<1x125xi32, #tpu.memory_space<vmem>>
        %dma_wait3A_263 = tpu.memref_squeeze %dma_wait3A_262 : memref<1x125xi32, #tpu.memory_space<vmem>> -> memref<125xi32, #tpu.memory_space<vmem>>
        %dma_wait3A_264 = arith.constant 0 : i32
        %dma_wait3A_265 = arith.constant 0 : i32
        %dma_wait3A_266 = tpu.memref_slice %arg9[%dma_wait3A_264, %dma_wait3A_265] : memref<10240x48xf32, #tpu.memory_space<vmem_shared>> -> memref<10240x48xf32, #tpu.memory_space<vmem_shared>>
        tpu.wait_indirect_dma semaphore(%arg14 : memref<!tpu.dma_semaphore, #tpu.memory_space<semaphore_mem>>) src(%dma_wait3A_260 : memref<125x48xf32, #tpu.memory_space<vmem>>) dst(%dma_wait3A_266 : memref<10240x48xf32, #tpu.memory_space<vmem_shared>>)
        %add3A_267 = arith.constant 2 : i32
        %add3A_268 = arith.addi %add3A_197, %add3A_267 : i32
        %dma_start3A_269 = arith.constant 0 : i32
        %dma_start3A_270 = arith.constant 0 : i32
        %dma_start3A_271 = arith.constant 0 : i32
        %dma_start3A_272 = tpu.memref_slice %arg8[%dma_start3A_269, %dma_start3A_270, %dma_start3A_271] : memref<4x125x48xf32, #tpu.memory_space<vmem>> -> memref<1x125x48xf32, #tpu.memory_space<vmem>>
        %dma_start3A_273 = tpu.memref_squeeze %dma_start3A_272 : memref<1x125x48xf32, #tpu.memory_space<vmem>> -> memref<125x48xf32, #tpu.memory_space<vmem>>
        %dma_start3A_274 = arith.constant 0 : i32
        %dma_start3A_275 = tpu.memref_slice %arg6[%add3A_268, %dma_start3A_274] : memref<80x125xi32, #tpu.memory_space<vmem>> -> memref<1x125xi32, #tpu.memory_space<vmem>>
        %dma_start3A_276 = tpu.memref_squeeze %dma_start3A_275 : memref<1x125xi32, #tpu.memory_space<vmem>> -> memref<125xi32, #tpu.memory_space<vmem>>
        %dma_start3A_277 = arith.constant 0 : i32
        %dma_start3A_278 = arith.constant 0 : i32
        %dma_start3A_279 = tpu.memref_slice %arg2[%dma_start3A_277, %dma_start3A_278] : memref<10000x48xf32, #tpu.memory_space<hbm>> -> memref<10000x48xf32, #tpu.memory_space<hbm>>
        tpu.enqueue_indirect_dma source(%dma_start3A_279 : memref<10000x48xf32, #tpu.memory_space<hbm>>) target(%dma_start3A_273 : memref<125x48xf32, #tpu.memory_space<vmem>>) offsets(%dma_start3A_276 : memref<125xi32, #tpu.memory_space<vmem>>) semaphore(%arg10 : memref<!tpu.dma_semaphore, #tpu.memory_space<semaphore_mem>>)
      } else {
      }
      %mul3A_224 = arith.constant 4 : i32
      %mul3A_225 = arith.muli %mul3A_224, %scan3A_125 : i32
      %add3A_226 = arith.constant 3 : i32
      %add3A_227 = arith.addi %mul3A_225, %add3A_226 : i32
      %dma_wait3A_228 = arith.constant 3 : i32
      %dma_wait3A_229 = arith.constant 0 : i32
      %dma_wait3A_230 = arith.constant 0 : i32
      %dma_wait3A_231 = tpu.memref_slice %arg8[%dma_wait3A_228, %dma_wait3A_229, %dma_wait3A_230] : memref<4x125x48xf32, #tpu.memory_space<vmem>> -> memref<1x125x48xf32, #tpu.memory_space<vmem>>
      %dma_wait3A_232 = tpu.memref_squeeze %dma_wait3A_231 : memref<1x125x48xf32, #tpu.memory_space<vmem>> -> memref<125x48xf32, #tpu.memory_space<vmem>>
      %dma_wait3A_233 = arith.constant 0 : i32
      %dma_wait3A_234 = tpu.memref_slice %arg6[%add3A_227, %dma_wait3A_233] : memref<80x125xi32, #tpu.memory_space<vmem>> -> memref<1x125xi32, #tpu.memory_space<vmem>>
      %dma_wait3A_235 = tpu.memref_squeeze %dma_wait3A_234 : memref<1x125xi32, #tpu.memory_space<vmem>> -> memref<125xi32, #tpu.memory_space<vmem>>
      %dma_wait3A_236 = arith.constant 0 : i32
      %dma_wait3A_237 = arith.constant 0 : i32
      %dma_wait3A_238 = tpu.memref_slice %arg2[%dma_wait3A_236, %dma_wait3A_237] : memref<10000x48xf32, #tpu.memory_space<hbm>> -> memref<10000x48xf32, #tpu.memory_space<hbm>>
      tpu.wait_indirect_dma semaphore(%arg13 : memref<!tpu.dma_semaphore, #tpu.memory_space<semaphore_mem>>) src(%dma_wait3A_238 : memref<10000x48xf32, #tpu.memory_space<hbm>>) dst(%dma_wait3A_232 : memref<125x48xf32, #tpu.memory_space<vmem>>)
      %dma_start3A_239 = arith.constant 3 : i32
      %dma_start3A_240 = arith.constant 0 : i32
      %dma_start3A_241 = arith.constant 0 : i32
      %dma_start3A_242 = tpu.memref_slice %arg8[%dma_start3A_239, %dma_start3A_240, %dma_start3A_241] : memref<4x125x48xf32, #tpu.memory_space<vmem>> -> memref<1x125x48xf32, #tpu.memory_space<vmem>>
      %dma_start3A_243 = tpu.memref_squeeze %dma_start3A_242 : memref<1x125x48xf32, #tpu.memory_space<vmem>> -> memref<125x48xf32, #tpu.memory_space<vmem>>
      %dma_start3A_244 = arith.constant 0 : i32
      %dma_start3A_245 = tpu.memref_slice %arg7[%add3A_227, %dma_start3A_244] : memref<80x125xi32, #tpu.memory_space<vmem>> -> memref<1x125xi32, #tpu.memory_space<vmem>>
      %dma_start3A_246 = tpu.memref_squeeze %dma_start3A_245 : memref<1x125xi32, #tpu.memory_space<vmem>> -> memref<125xi32, #tpu.memory_space<vmem>>
      %dma_start3A_247 = arith.constant 0 : i32
      %dma_start3A_248 = arith.constant 0 : i32
      %dma_start3A_249 = tpu.memref_slice %arg9[%dma_start3A_247, %dma_start3A_248] : memref<10240x48xf32, #tpu.memory_space<vmem_shared>> -> memref<10240x48xf32, #tpu.memory_space<vmem_shared>>
      tpu.enqueue_indirect_dma source(%dma_start3A_243 : memref<125x48xf32, #tpu.memory_space<vmem>>) target(%dma_start3A_249 : memref<10240x48xf32, #tpu.memory_space<vmem_shared>>) offsets(%dma_start3A_246 : memref<125xi32, #tpu.memory_space<vmem>>) semaphore(%arg17 : memref<!tpu.dma_semaphore, #tpu.memory_space<semaphore_mem>>) {add = true}
      %le3A_250 = arith.constant 18 : i32
      %le3A_251 = arith.cmpi sle, %scan3A_125, %le3A_250 : i32
      %convert_element_type3A_252 = arith.extui %le3A_251 : i1 to i32
      %cond3A_253 = arith.constant 0 : i32
      %cond3A_254 = arith.cmpi ne, %convert_element_type3A_252, %cond3A_253 : i32
      scf.if %cond3A_254 {
        %sub3A = arith.constant 2 : i32
        %sub3A_255 = arith.subi %add3A_227, %sub3A : i32
        %dma_wait3A_256 = arith.constant 1 : i32
        %dma_wait3A_257 = arith.constant 0 : i32
        %dma_wait3A_258 = arith.constant 0 : i32
        %dma_wait3A_259 = tpu.memref_slice %arg8[%dma_wait3A_256, %dma_wait3A_257, %dma_wait3A_258] : memref<4x125x48xf32, #tpu.memory_space<vmem>> -> memref<1x125x48xf32, #tpu.memory_space<vmem>>
        %dma_wait3A_260 = tpu.memref_squeeze %dma_wait3A_259 : memref<1x125x48xf32, #tpu.memory_space<vmem>> -> memref<125x48xf32, #tpu.memory_space<vmem>>
        %dma_wait3A_261 = arith.constant 0 : i32
        %dma_wait3A_262 = tpu.memref_slice %arg7[%sub3A_255, %dma_wait3A_261] : memref<80x125xi32, #tpu.memory_space<vmem>> -> memref<1x125xi32, #tpu.memory_space<vmem>>
        %dma_wait3A_263 = tpu.memref_squeeze %dma_wait3A_262 : memref<1x125xi32, #tpu.memory_space<vmem>> -> memref<125xi32, #tpu.memory_space<vmem>>
        %dma_wait3A_264 = arith.constant 0 : i32
        %dma_wait3A_265 = arith.constant 0 : i32
        %dma_wait3A_266 = tpu.memref_slice %arg9[%dma_wait3A_264, %dma_wait3A_265] : memref<10240x48xf32, #tpu.memory_space<vmem_shared>> -> memref<10240x48xf32, #tpu.memory_space<vmem_shared>>
        tpu.wait_indirect_dma semaphore(%arg15 : memref<!tpu.dma_semaphore, #tpu.memory_space<semaphore_mem>>) src(%dma_wait3A_260 : memref<125x48xf32, #tpu.memory_space<vmem>>) dst(%dma_wait3A_266 : memref<10240x48xf32, #tpu.memory_space<vmem_shared>>)
        %add3A_267 = arith.constant 2 : i32
        %add3A_268 = arith.addi %add3A_227, %add3A_267 : i32
        %dma_start3A_269 = arith.constant 1 : i32
        %dma_start3A_270 = arith.constant 0 : i32
        %dma_start3A_271 = arith.constant 0 : i32
        %dma_start3A_272 = tpu.memref_slice %arg8[%dma_start3A_269, %dma_start3A_270, %dma_start3A_271] : memref<4x125x48xf32, #tpu.memory_space<vmem>> -> memref<1x125x48xf32, #tpu.memory_space<vmem>>
        %dma_start3A_273 = tpu.memref_squeeze %dma_start3A_272 : memref<1x125x48xf32, #tpu.memory_space<vmem>> -> memref<125x48xf32, #tpu.memory_space<vmem>>
        %dma_start3A_274 = arith.constant 0 : i32
        %dma_start3A_275 = tpu.memref_slice %arg6[%add3A_268, %dma_start3A_274] : memref<80x125xi32, #tpu.memory_space<vmem>> -> memref<1x125xi32, #tpu.memory_space<vmem>>
        %dma_start3A_276 = tpu.memref_squeeze %dma_start3A_275 : memref<1x125xi32, #tpu.memory_space<vmem>> -> memref<125xi32, #tpu.memory_space<vmem>>
        %dma_start3A_277 = arith.constant 0 : i32
        %dma_start3A_278 = arith.constant 0 : i32
        %dma_start3A_279 = tpu.memref_slice %arg2[%dma_start3A_277, %dma_start3A_278] : memref<10000x48xf32, #tpu.memory_space<hbm>> -> memref<10000x48xf32, #tpu.memory_space<hbm>>
        tpu.enqueue_indirect_dma source(%dma_start3A_279 : memref<10000x48xf32, #tpu.memory_space<hbm>>) target(%dma_start3A_273 : memref<125x48xf32, #tpu.memory_space<vmem>>) offsets(%dma_start3A_276 : memref<125xi32, #tpu.memory_space<vmem>>) semaphore(%arg11 : memref<!tpu.dma_semaphore, #tpu.memory_space<semaphore_mem>>)
      } else {
      }
    }
    %scan3A_71 = arith.constant 20 : i32
    %dma_wait3A_72 = arith.constant 0 : i32
    %dma_wait3A_73 = arith.constant 76 : i32
    %dma_wait3A_74 = arith.constant 0 : i32
    %dma_wait3A_75 = arith.constant 0 : i32
    %dma_wait3A_76 = tpu.memref_slice %arg8[%dma_wait3A_72, %dma_wait3A_74, %dma_wait3A_75] : memref<4x125x48xf32, #tpu.memory_space<vmem>> -> memref<1x125x48xf32, #tpu.memory_space<vmem>>
    %dma_wait3A_77 = tpu.memref_squeeze %dma_wait3A_76 : memref<1x125x48xf32, #tpu.memory_space<vmem>> -> memref<125x48xf32, #tpu.memory_space<vmem>>
    %dma_wait3A_78 = arith.constant 0 : i32
    %dma_wait3A_79 = tpu.memref_slice %arg7[%dma_wait3A_73, %dma_wait3A_78] : memref<80x125xi32, #tpu.memory_space<vmem>> -> memref<1x125xi32, #tpu.memory_space<vmem>>
    %dma_wait3A_80 = tpu.memref_squeeze %dma_wait3A_79 : memref<1x125xi32, #tpu.memory_space<vmem>> -> memref<125xi32, #tpu.memory_space<vmem>>
    %dma_wait3A_81 = arith.constant 0 : i32
    %dma_wait3A_82 = arith.constant 0 : i32
    %dma_wait3A_83 = tpu.memref_slice %arg9[%dma_wait3A_81, %dma_wait3A_82] : memref<10240x48xf32, #tpu.memory_space<vmem_shared>> -> memref<10240x48xf32, #tpu.memory_space<vmem_shared>>
    tpu.wait_indirect_dma semaphore(%arg14 : memref<!tpu.dma_semaphore, #tpu.memory_space<semaphore_mem>>) src(%dma_wait3A_77 : memref<125x48xf32, #tpu.memory_space<vmem>>) dst(%dma_wait3A_83 : memref<10240x48xf32, #tpu.memory_space<vmem_shared>>)
    %dma_wait3A_84 = arith.constant 1 : i32
    %dma_wait3A_85 = arith.constant 77 : i32
    %dma_wait3A_86 = arith.constant 0 : i32
    %dma_wait3A_87 = arith.constant 0 : i32
    %dma_wait3A_88 = tpu.memref_slice %arg8[%dma_wait3A_84, %dma_wait3A_86, %dma_wait3A_87] : memref<4x125x48xf32, #tpu.memory_space<vmem>> -> memref<1x125x48xf32, #tpu.memory_space<vmem>>
    %dma_wait3A_89 = tpu.memref_squeeze %dma_wait3A_88 : memref<1x125x48xf32, #tpu.memory_space<vmem>> -> memref<125x48xf32, #tpu.memory_space<vmem>>
    %dma_wait3A_90 = arith.constant 0 : i32
    %dma_wait3A_91 = tpu.memref_slice %arg7[%dma_wait3A_85, %dma_wait3A_90] : memref<80x125xi32, #tpu.memory_space<vmem>> -> memref<1x125xi32, #tpu.memory_space<vmem>>
    %dma_wait3A_92 = tpu.memref_squeeze %dma_wait3A_91 : memref<1x125xi32, #tpu.memory_space<vmem>> -> memref<125xi32, #tpu.memory_space<vmem>>
    %dma_wait3A_93 = arith.constant 0 : i32
    %dma_wait3A_94 = arith.constant 0 : i32
    %dma_wait3A_95 = tpu.memref_slice %arg9[%dma_wait3A_93, %dma_wait3A_94] : memref<10240x48xf32, #tpu.memory_space<vmem_shared>> -> memref<10240x48xf32, #tpu.memory_space<vmem_shared>>
    tpu.wait_indirect_dma semaphore(%arg15 : memref<!tpu.dma_semaphore, #tpu.memory_space<semaphore_mem>>) src(%dma_wait3A_89 : memref<125x48xf32, #tpu.memory_space<vmem>>) dst(%dma_wait3A_95 : memref<10240x48xf32, #tpu.memory_space<vmem_shared>>)
    %dma_wait3A_96 = arith.constant 2 : i32
    %dma_wait3A_97 = arith.constant 78 : i32
    %dma_wait3A_98 = arith.constant 0 : i32
    %dma_wait3A_99 = arith.constant 0 : i32
    %dma_wait3A_100 = tpu.memref_slice %arg8[%dma_wait3A_96, %dma_wait3A_98, %dma_wait3A_99] : memref<4x125x48xf32, #tpu.memory_space<vmem>> -> memref<1x125x48xf32, #tpu.memory_space<vmem>>
    %dma_wait3A_101 = tpu.memref_squeeze %dma_wait3A_100 : memref<1x125x48xf32, #tpu.memory_space<vmem>> -> memref<125x48xf32, #tpu.memory_space<vmem>>
    %dma_wait3A_102 = arith.constant 0 : i32
    %dma_wait3A_103 = tpu.memref_slice %arg7[%dma_wait3A_97, %dma_wait3A_102] : memref<80x125xi32, #tpu.memory_space<vmem>> -> memref<1x125xi32, #tpu.memory_space<vmem>>
    %dma_wait3A_104 = tpu.memref_squeeze %dma_wait3A_103 : memref<1x125xi32, #tpu.memory_space<vmem>> -> memref<125xi32, #tpu.memory_space<vmem>>
    %dma_wait3A_105 = arith.constant 0 : i32
    %dma_wait3A_106 = arith.constant 0 : i32
    %dma_wait3A_107 = tpu.memref_slice %arg9[%dma_wait3A_105, %dma_wait3A_106] : memref<10240x48xf32, #tpu.memory_space<vmem_shared>> -> memref<10240x48xf32, #tpu.memory_space<vmem_shared>>
    tpu.wait_indirect_dma semaphore(%arg16 : memref<!tpu.dma_semaphore, #tpu.memory_space<semaphore_mem>>) src(%dma_wait3A_101 : memref<125x48xf32, #tpu.memory_space<vmem>>) dst(%dma_wait3A_107 : memref<10240x48xf32, #tpu.memory_space<vmem_shared>>)
    %dma_wait3A_108 = arith.constant 3 : i32
    %dma_wait3A_109 = arith.constant 79 : i32
    %dma_wait3A_110 = arith.constant 0 : i32
    %dma_wait3A_111 = arith.constant 0 : i32
    %dma_wait3A_112 = tpu.memref_slice %arg8[%dma_wait3A_108, %dma_wait3A_110, %dma_wait3A_111] : memref<4x125x48xf32, #tpu.memory_space<vmem>> -> memref<1x125x48xf32, #tpu.memory_space<vmem>>
    %dma_wait3A_113 = tpu.memref_squeeze %dma_wait3A_112 : memref<1x125x48xf32, #tpu.memory_space<vmem>> -> memref<125x48xf32, #tpu.memory_space<vmem>>
    %dma_wait3A_114 = arith.constant 0 : i32
    %dma_wait3A_115 = tpu.memref_slice %arg7[%dma_wait3A_109, %dma_wait3A_114] : memref<80x125xi32, #tpu.memory_space<vmem>> -> memref<1x125xi32, #tpu.memory_space<vmem>>
    %dma_wait3A_116 = tpu.memref_squeeze %dma_wait3A_115 : memref<1x125xi32, #tpu.memory_space<vmem>> -> memref<125xi32, #tpu.memory_space<vmem>>
    %dma_wait3A_117 = arith.constant 0 : i32
    %dma_wait3A_118 = arith.constant 0 : i32
    %dma_wait3A_119 = tpu.memref_slice %arg9[%dma_wait3A_117, %dma_wait3A_118] : memref<10240x48xf32, #tpu.memory_space<vmem_shared>> -> memref<10240x48xf32, #tpu.memory_space<vmem_shared>>
    tpu.wait_indirect_dma semaphore(%arg17 : memref<!tpu.dma_semaphore, #tpu.memory_space<semaphore_mem>>) src(%dma_wait3A_113 : memref<125x48xf32, #tpu.memory_space<vmem>>) dst(%dma_wait3A_119 : memref<10240x48xf32, #tpu.memory_space<vmem_shared>>)
    %barrier3A_120 = arith.constant 0 : index
    tpu.barrier barrier_id(%barrier3A_120)
    %mul3A_121 = arith.constant 640 : i32
    %mul3A_122 = arith.muli %arg1, %mul3A_121 : i32
    %mul3A_123 = arith.constant 640 : i32
    %mul3A_124 = arith.muli %arg1, %mul3A_123 : i32
    "tpu.region"() ({
      %run_scoped3A = tpu.sem_alloc : memref<!tpu.dma_semaphore, #tpu.memory_space<semaphore_mem>>
      %dma_start3A_125 = arith.constant 0 : i32
      %dma_start3A_126 = tpu.memref_slice %arg5[%arg0, %mul3A_124, %dma_start3A_125] : memref<2x10240x48xf32, #tpu.memory_space<hbm>> -> memref<1x640x48xf32, #tpu.memory_space<hbm>>
      %dma_start3A_127 = tpu.memref_squeeze %dma_start3A_126 : memref<1x640x48xf32, #tpu.memory_space<hbm>> -> memref<640x48xf32, #tpu.memory_space<hbm>>
      %dma_start3A_128 = arith.constant 0 : i32
      %dma_start3A_129 = tpu.memref_slice %arg9[%mul3A_122, %dma_start3A_128] : memref<10240x48xf32, #tpu.memory_space<vmem_shared>> -> memref<640x48xf32, #tpu.memory_space<vmem_shared>>
      tpu.enqueue_dma source(%dma_start3A_129 : memref<640x48xf32, #tpu.memory_space<vmem_shared>>) target(%dma_start3A_127 : memref<640x48xf32, #tpu.memory_space<hbm>>) target_semaphore(%run_scoped3A : memref<!tpu.dma_semaphore, #tpu.memory_space<semaphore_mem>>)
      %dma_wait3A_130 = arith.constant 0 : i32
      %dma_wait3A_131 = tpu.memref_slice %arg5[%arg0, %mul3A_124, %dma_wait3A_130] : memref<2x10240x48xf32, #tpu.memory_space<hbm>> -> memref<1x640x48xf32, #tpu.memory_space<hbm>>
      %dma_wait3A_132 = tpu.memref_squeeze %dma_wait3A_131 : memref<1x640x48xf32, #tpu.memory_space<hbm>> -> memref<640x48xf32, #tpu.memory_space<hbm>>
      %dma_wait3A_133 = arith.constant 0 : i32
      %dma_wait3A_134 = tpu.memref_slice %arg9[%mul3A_122, %dma_wait3A_133] : memref<10240x48xf32, #tpu.memory_space<vmem_shared>> -> memref<640x48xf32, #tpu.memory_space<vmem_shared>>
      tpu.wait_dma2 semaphore(%run_scoped3A : memref<!tpu.dma_semaphore, #tpu.memory_space<semaphore_mem>>) src(%dma_wait3A_134 : memref<640x48xf32, #tpu.memory_space<vmem_shared>>) dst(%dma_wait3A_132 : memref<640x48xf32, #tpu.memory_space<hbm>>)
      tpu.yield
    }) : () -> ()
    return
  }
}

#map = affine_map<(d0, d1) -> (0, 0)>
#map1 = affine_map<(d0, d1) -> (0, 0, 0, 0)>
#map2 = affine_map<(d0, d1) -> (0, 0, 0)>
module attributes {stable_mosaic.version = 14 : i64} {
  func.func @seg(%arg0: i32, %arg1: i32, %arg2: memref<10000x64xf32, #tpu.memory_space<hbm>>, %arg3: memref<2x32x80x125xi32, #tpu.memory_space<hbm>>, %arg4: memref<640x64xf32, #tpu.memory_space<hbm>>, %arg5: memref<2x10240x64xf32, #tpu.memory_space<hbm>>, %arg6: memref<80x125xi32, #tpu.memory_space<vmem>>, %arg7: memref<80x125xi32, #tpu.memory_space<vmem>>, %arg8: memref<4x125x64xf32, #tpu.memory_space<vmem>>, %arg9: memref<10240x64xf32, #tpu.memory_space<vmem_shared>>, %arg10: memref<!tpu.dma_semaphore, #tpu.memory_space<semaphore_mem>>, %arg11: memref<!tpu.dma_semaphore, #tpu.memory_space<semaphore_mem>>, %arg12: memref<!tpu.dma_semaphore, #tpu.memory_space<semaphore_mem>>, %arg13: memref<!tpu.dma_semaphore, #tpu.memory_space<semaphore_mem>>, %arg14: memref<!tpu.dma_semaphore, #tpu.memory_space<semaphore_mem>>, %arg15: memref<!tpu.dma_semaphore, #tpu.memory_space<semaphore_mem>>, %arg16: memref<!tpu.dma_semaphore, #tpu.memory_space<semaphore_mem>>, %arg17: memref<!tpu.dma_semaphore, #tpu.memory_space<semaphore_mem>>) attributes {dimension_semantics = [#tpu.dimension_semantics<core_parallel>, #tpu.dimension_semantics<subcore_parallel>], iteration_bounds = array<i64: 2, 16>, scalar_prefetch = 0 : i64, scratch_operands = 12 : i64, tpu.core_type = #tpu.core_type<sc_vector_subcore>, window_params = [{transform_indices = #map}, {transform_indices = #map1}, {transform_indices = #map}, {transform_indices = #map2}]} {
    %mul3A = arith.constant 2 : i32
    %mul3A_0 = arith.muli %arg1, %mul3A : i32
    %add3A = arith.addi %mul3A_0, %arg0 : i32
    %dma_start3A = arith.constant 0 : i32
    %dma_start3A_1 = arith.constant 0 : i32
    %dma_start3A_2 = arith.constant 0 : i32
    %dma_start3A_3 = tpu.memref_slice %arg3[%dma_start3A, %add3A, %dma_start3A_1, %dma_start3A_2] : memref<2x32x80x125xi32, #tpu.memory_space<hbm>> -> memref<1x1x80x125xi32, #tpu.memory_space<hbm>>
    %dma_start3A_4 = tpu.memref_squeeze %dma_start3A_3 : memref<1x1x80x125xi32, #tpu.memory_space<hbm>> -> memref<80x125xi32, #tpu.memory_space<hbm>>
    %dma_start3A_5 = arith.constant 0 : i32
    %dma_start3A_6 = arith.constant 0 : i32
    %dma_start3A_7 = tpu.memref_slice %arg3[%dma_start3A, %add3A, %dma_start3A_5, %dma_start3A_6] : memref<2x32x80x125xi32, #tpu.memory_space<hbm>> -> memref<1x1x80x125xi32, #tpu.memory_space<hbm>>
    %dma_start3A_8 = tpu.memref_squeeze %dma_start3A_7 : memref<1x1x80x125xi32, #tpu.memory_space<hbm>> -> memref<80x125xi32, #tpu.memory_space<hbm>>
    tpu.enqueue_dma source(%dma_start3A_8 : memref<80x125xi32, #tpu.memory_space<hbm>>) target(%arg6 : memref<80x125xi32, #tpu.memory_space<vmem>>) target_semaphore(%arg10 : memref<!tpu.dma_semaphore, #tpu.memory_space<semaphore_mem>>)
    %dma_start3A_9 = arith.constant 1 : i32
    %dma_start3A_10 = arith.constant 0 : i32
    %dma_start3A_11 = arith.constant 0 : i32
    %dma_start3A_12 = tpu.memref_slice %arg3[%dma_start3A_9, %add3A, %dma_start3A_10, %dma_start3A_11] : memref<2x32x80x125xi32, #tpu.memory_space<hbm>> -> memref<1x1x80x125xi32, #tpu.memory_space<hbm>>
    %dma_start3A_13 = tpu.memref_squeeze %dma_start3A_12 : memref<1x1x80x125xi32, #tpu.memory_space<hbm>> -> memref<80x125xi32, #tpu.memory_space<hbm>>
    %dma_start3A_14 = arith.constant 0 : i32
    %dma_start3A_15 = arith.constant 0 : i32
    %dma_start3A_16 = tpu.memref_slice %arg3[%dma_start3A_9, %add3A, %dma_start3A_14, %dma_start3A_15] : memref<2x32x80x125xi32, #tpu.memory_space<hbm>> -> memref<1x1x80x125xi32, #tpu.memory_space<hbm>>
    %dma_start3A_17 = tpu.memref_squeeze %dma_start3A_16 : memref<1x1x80x125xi32, #tpu.memory_space<hbm>> -> memref<80x125xi32, #tpu.memory_space<hbm>>
    tpu.enqueue_dma source(%dma_start3A_17 : memref<80x125xi32, #tpu.memory_space<hbm>>) target(%arg7 : memref<80x125xi32, #tpu.memory_space<vmem>>) target_semaphore(%arg11 : memref<!tpu.dma_semaphore, #tpu.memory_space<semaphore_mem>>)
    %mul3A_18 = arith.constant 640 : i32
    %mul3A_19 = arith.muli %arg1, %mul3A_18 : i32
    %dma_start3A_20 = arith.constant 0 : i32
    %dma_start3A_21 = tpu.memref_slice %arg9[%mul3A_19, %dma_start3A_20] : memref<10240x64xf32, #tpu.memory_space<vmem_shared>> -> memref<640x64xf32, #tpu.memory_space<vmem_shared>>
    tpu.enqueue_dma source(%arg4 : memref<640x64xf32, #tpu.memory_space<hbm>>) target(%dma_start3A_21 : memref<640x64xf32, #tpu.memory_space<vmem_shared>>) target_semaphore(%arg12 : memref<!tpu.dma_semaphore, #tpu.memory_space<semaphore_mem>>)
    %dma_wait3A = arith.constant 0 : i32
    %dma_wait3A_22 = arith.constant 0 : i32
    %dma_wait3A_23 = arith.constant 0 : i32
    %dma_wait3A_24 = tpu.memref_slice %arg3[%dma_wait3A, %add3A, %dma_wait3A_22, %dma_wait3A_23] : memref<2x32x80x125xi32, #tpu.memory_space<hbm>> -> memref<1x1x80x125xi32, #tpu.memory_space<hbm>>
    %dma_wait3A_25 = tpu.memref_squeeze %dma_wait3A_24 : memref<1x1x80x125xi32, #tpu.memory_space<hbm>> -> memref<80x125xi32, #tpu.memory_space<hbm>>
    %dma_wait3A_26 = arith.constant 0 : i32
    %dma_wait3A_27 = arith.constant 0 : i32
    %dma_wait3A_28 = tpu.memref_slice %arg3[%dma_wait3A, %add3A, %dma_wait3A_26, %dma_wait3A_27] : memref<2x32x80x125xi32, #tpu.memory_space<hbm>> -> memref<1x1x80x125xi32, #tpu.memory_space<hbm>>
    %dma_wait3A_29 = tpu.memref_squeeze %dma_wait3A_28 : memref<1x1x80x125xi32, #tpu.memory_space<hbm>> -> memref<80x125xi32, #tpu.memory_space<hbm>>
    tpu.wait_dma2 semaphore(%arg10 : memref<!tpu.dma_semaphore, #tpu.memory_space<semaphore_mem>>) src(%dma_wait3A_29 : memref<80x125xi32, #tpu.memory_space<hbm>>) dst(%arg6 : memref<80x125xi32, #tpu.memory_space<vmem>>)
    %dma_wait3A_30 = arith.constant 1 : i32
    %dma_wait3A_31 = arith.constant 0 : i32
    %dma_wait3A_32 = arith.constant 0 : i32
    %dma_wait3A_33 = tpu.memref_slice %arg3[%dma_wait3A_30, %add3A, %dma_wait3A_31, %dma_wait3A_32] : memref<2x32x80x125xi32, #tpu.memory_space<hbm>> -> memref<1x1x80x125xi32, #tpu.memory_space<hbm>>
    %dma_wait3A_34 = tpu.memref_squeeze %dma_wait3A_33 : memref<1x1x80x125xi32, #tpu.memory_space<hbm>> -> memref<80x125xi32, #tpu.memory_space<hbm>>
    %dma_wait3A_35 = arith.constant 0 : i32
    %dma_wait3A_36 = arith.constant 0 : i32
    %dma_wait3A_37 = tpu.memref_slice %arg3[%dma_wait3A_30, %add3A, %dma_wait3A_35, %dma_wait3A_36] : memref<2x32x80x125xi32, #tpu.memory_space<hbm>> -> memref<1x1x80x125xi32, #tpu.memory_space<hbm>>
    %dma_wait3A_38 = tpu.memref_squeeze %dma_wait3A_37 : memref<1x1x80x125xi32, #tpu.memory_space<hbm>> -> memref<80x125xi32, #tpu.memory_space<hbm>>
    tpu.wait_dma2 semaphore(%arg11 : memref<!tpu.dma_semaphore, #tpu.memory_space<semaphore_mem>>) src(%dma_wait3A_38 : memref<80x125xi32, #tpu.memory_space<hbm>>) dst(%arg7 : memref<80x125xi32, #tpu.memory_space<vmem>>)
    %mul3A_39 = arith.constant 640 : i32
    %mul3A_40 = arith.muli %arg1, %mul3A_39 : i32
    %dma_wait3A_41 = arith.constant 0 : i32
    %dma_wait3A_42 = tpu.memref_slice %arg9[%mul3A_40, %dma_wait3A_41] : memref<10240x64xf32, #tpu.memory_space<vmem_shared>> -> memref<640x64xf32, #tpu.memory_space<vmem_shared>>
    tpu.wait_dma2 semaphore(%arg12 : memref<!tpu.dma_semaphore, #tpu.memory_space<semaphore_mem>>) src(%arg4 : memref<640x64xf32, #tpu.memory_space<hbm>>) dst(%dma_wait3A_42 : memref<640x64xf32, #tpu.memory_space<vmem_shared>>)
    %barrier3A = arith.constant 0 : index
    tpu.barrier barrier_id(%barrier3A)
    %dma_start3A_43 = arith.constant 0 : i32
    %dma_start3A_44 = arith.constant 0 : i32
    %dma_start3A_45 = arith.constant 0 : i32
    %dma_start3A_46 = arith.constant 0 : i32
    %dma_start3A_47 = tpu.memref_slice %arg8[%dma_start3A_44, %dma_start3A_45, %dma_start3A_46] : memref<4x125x64xf32, #tpu.memory_space<vmem>> -> memref<1x125x64xf32, #tpu.memory_space<vmem>>
    %dma_start3A_48 = tpu.memref_squeeze %dma_start3A_47 : memref<1x125x64xf32, #tpu.memory_space<vmem>> -> memref<125x64xf32, #tpu.memory_space<vmem>>
    %dma_start3A_49 = arith.constant 0 : i32
    %dma_start3A_50 = tpu.memref_slice %arg6[%dma_start3A_43, %dma_start3A_49] : memref<80x125xi32, #tpu.memory_space<vmem>> -> memref<1x125xi32, #tpu.memory_space<vmem>>
    %dma_start3A_51 = tpu.memref_squeeze %dma_start3A_50 : memref<1x125xi32, #tpu.memory_space<vmem>> -> memref<125xi32, #tpu.memory_space<vmem>>
    %dma_start3A_52 = arith.constant 0 : i32
    %dma_start3A_53 = arith.constant 0 : i32
    %dma_start3A_54 = tpu.memref_slice %arg2[%dma_start3A_52, %dma_start3A_53] : memref<10000x64xf32, #tpu.memory_space<hbm>> -> memref<10000x64xf32, #tpu.memory_space<hbm>>
    tpu.enqueue_indirect_dma source(%dma_start3A_54 : memref<10000x64xf32, #tpu.memory_space<hbm>>) target(%dma_start3A_48 : memref<125x64xf32, #tpu.memory_space<vmem>>) offsets(%dma_start3A_51 : memref<125xi32, #tpu.memory_space<vmem>>) semaphore(%arg10 : memref<!tpu.dma_semaphore, #tpu.memory_space<semaphore_mem>>)
    %dma_start3A_55 = arith.constant 1 : i32
    %dma_start3A_56 = arith.constant 1 : i32
    %dma_start3A_57 = arith.constant 0 : i32
    %dma_start3A_58 = arith.constant 0 : i32
    %dma_start3A_59 = tpu.memref_slice %arg8[%dma_start3A_56, %dma_start3A_57, %dma_start3A_58] : memref<4x125x64xf32, #tpu.memory_space<vmem>> -> memref<1x125x64xf32, #tpu.memory_space<vmem>>
    %dma_start3A_60 = tpu.memref_squeeze %dma_start3A_59 : memref<1x125x64xf32, #tpu.memory_space<vmem>> -> memref<125x64xf32, #tpu.memory_space<vmem>>
    %dma_start3A_61 = arith.constant 0 : i32
    %dma_start3A_62 = tpu.memref_slice %arg6[%dma_start3A_55, %dma_start3A_61] : memref<80x125xi32, #tpu.memory_space<vmem>> -> memref<1x125xi32, #tpu.memory_space<vmem>>
    %dma_start3A_63 = tpu.memref_squeeze %dma_start3A_62 : memref<1x125xi32, #tpu.memory_space<vmem>> -> memref<125xi32, #tpu.memory_space<vmem>>
    %dma_start3A_64 = arith.constant 0 : i32
    %dma_start3A_65 = arith.constant 0 : i32
    %dma_start3A_66 = tpu.memref_slice %arg2[%dma_start3A_64, %dma_start3A_65] : memref<10000x64xf32, #tpu.memory_space<hbm>> -> memref<10000x64xf32, #tpu.memory_space<hbm>>
    tpu.enqueue_indirect_dma source(%dma_start3A_66 : memref<10000x64xf32, #tpu.memory_space<hbm>>) target(%dma_start3A_60 : memref<125x64xf32, #tpu.memory_space<vmem>>) offsets(%dma_start3A_63 : memref<125xi32, #tpu.memory_space<vmem>>) semaphore(%arg11 : memref<!tpu.dma_semaphore, #tpu.memory_space<semaphore_mem>>)
    %scan3A = arith.constant 0 : i32
    %scan3A_67 = arith.constant 0 : i32
    %scan3A_68 = arith.constant 20 : i32
    %scan3A_69 = arith.addi %scan3A_67, %scan3A_68 : i32
    %scan3A_70 = arith.constant 1 : i32
    scf.for %scan3A_125 = %scan3A_67 to %scan3A_69 step %scan3A_70  : i32 {
      %mul3A_126 = arith.constant 4 : i32
      %mul3A_127 = arith.muli %mul3A_126, %scan3A_125 : i32
      %add3A_128 = arith.constant 0 : i32
      %add3A_129 = arith.addi %mul3A_127, %add3A_128 : i32
      %dma_wait3A_130 = arith.constant 0 : i32
      %dma_wait3A_131 = arith.constant 0 : i32
      %dma_wait3A_132 = arith.constant 0 : i32
      %dma_wait3A_133 = tpu.memref_slice %arg8[%dma_wait3A_130, %dma_wait3A_131, %dma_wait3A_132] : memref<4x125x64xf32, #tpu.memory_space<vmem>> -> memref<1x125x64xf32, #tpu.memory_space<vmem>>
      %dma_wait3A_134 = tpu.memref_squeeze %dma_wait3A_133 : memref<1x125x64xf32, #tpu.memory_space<vmem>> -> memref<125x64xf32, #tpu.memory_space<vmem>>
      %dma_wait3A_135 = arith.constant 0 : i32
      %dma_wait3A_136 = tpu.memref_slice %arg6[%add3A_129, %dma_wait3A_135] : memref<80x125xi32, #tpu.memory_space<vmem>> -> memref<1x125xi32, #tpu.memory_space<vmem>>
      %dma_wait3A_137 = tpu.memref_squeeze %dma_wait3A_136 : memref<1x125xi32, #tpu.memory_space<vmem>> -> memref<125xi32, #tpu.memory_space<vmem>>
      %dma_wait3A_138 = arith.constant 0 : i32
      %dma_wait3A_139 = arith.constant 0 : i32
      %dma_wait3A_140 = tpu.memref_slice %arg2[%dma_wait3A_138, %dma_wait3A_139] : memref<10000x64xf32, #tpu.memory_space<hbm>> -> memref<10000x64xf32, #tpu.memory_space<hbm>>
      tpu.wait_indirect_dma semaphore(%arg10 : memref<!tpu.dma_semaphore, #tpu.memory_space<semaphore_mem>>) src(%dma_wait3A_140 : memref<10000x64xf32, #tpu.memory_space<hbm>>) dst(%dma_wait3A_134 : memref<125x64xf32, #tpu.memory_space<vmem>>)
      %dma_start3A_141 = arith.constant 0 : i32
      %dma_start3A_142 = arith.constant 0 : i32
      %dma_start3A_143 = arith.constant 0 : i32
      %dma_start3A_144 = tpu.memref_slice %arg8[%dma_start3A_141, %dma_start3A_142, %dma_start3A_143] : memref<4x125x64xf32, #tpu.memory_space<vmem>> -> memref<1x125x64xf32, #tpu.memory_space<vmem>>
      %dma_start3A_145 = tpu.memref_squeeze %dma_start3A_144 : memref<1x125x64xf32, #tpu.memory_space<vmem>> -> memref<125x64xf32, #tpu.memory_space<vmem>>
      %dma_start3A_146 = arith.constant 0 : i32
      %dma_start3A_147 = tpu.memref_slice %arg7[%add3A_129, %dma_start3A_146] : memref<80x125xi32, #tpu.memory_space<vmem>> -> memref<1x125xi32, #tpu.memory_space<vmem>>
      %dma_start3A_148 = tpu.memref_squeeze %dma_start3A_147 : memref<1x125xi32, #tpu.memory_space<vmem>> -> memref<125xi32, #tpu.memory_space<vmem>>
      %dma_start3A_149 = arith.constant 0 : i32
      %dma_start3A_150 = arith.constant 0 : i32
      %dma_start3A_151 = tpu.memref_slice %arg9[%dma_start3A_149, %dma_start3A_150] : memref<10240x64xf32, #tpu.memory_space<vmem_shared>> -> memref<10240x64xf32, #tpu.memory_space<vmem_shared>>
      tpu.enqueue_indirect_dma source(%dma_start3A_145 : memref<125x64xf32, #tpu.memory_space<vmem>>) target(%dma_start3A_151 : memref<10240x64xf32, #tpu.memory_space<vmem_shared>>) offsets(%dma_start3A_148 : memref<125xi32, #tpu.memory_space<vmem>>) semaphore(%arg14 : memref<!tpu.dma_semaphore, #tpu.memory_space<semaphore_mem>>) {add = true}
      %eq3A = arith.constant 0 : i32
      %eq3A_152 = arith.cmpi eq, %scan3A_125, %eq3A : i32
      %convert_element_type3A = arith.extui %eq3A_152 : i1 to i32
      %cond3A = arith.constant 0 : i32
      %cond3A_153 = arith.cmpi ne, %convert_element_type3A, %cond3A : i32
      scf.if %cond3A_153 {
        %dma_start3A_255 = arith.constant 2 : i32
        %dma_start3A_256 = arith.constant 2 : i32
        %dma_start3A_257 = arith.constant 0 : i32
        %dma_start3A_258 = arith.constant 0 : i32
        %dma_start3A_259 = tpu.memref_slice %arg8[%dma_start3A_256, %dma_start3A_257, %dma_start3A_258] : memref<4x125x64xf32, #tpu.memory_space<vmem>> -> memref<1x125x64xf32, #tpu.memory_space<vmem>>
        %dma_start3A_260 = tpu.memref_squeeze %dma_start3A_259 : memref<1x125x64xf32, #tpu.memory_space<vmem>> -> memref<125x64xf32, #tpu.memory_space<vmem>>
        %dma_start3A_261 = arith.constant 0 : i32
        %dma_start3A_262 = tpu.memref_slice %arg6[%dma_start3A_255, %dma_start3A_261] : memref<80x125xi32, #tpu.memory_space<vmem>> -> memref<1x125xi32, #tpu.memory_space<vmem>>
        %dma_start3A_263 = tpu.memref_squeeze %dma_start3A_262 : memref<1x125xi32, #tpu.memory_space<vmem>> -> memref<125xi32, #tpu.memory_space<vmem>>
        %dma_start3A_264 = arith.constant 0 : i32
        %dma_start3A_265 = arith.constant 0 : i32
        %dma_start3A_266 = tpu.memref_slice %arg2[%dma_start3A_264, %dma_start3A_265] : memref<10000x64xf32, #tpu.memory_space<hbm>> -> memref<10000x64xf32, #tpu.memory_space<hbm>>
        tpu.enqueue_indirect_dma source(%dma_start3A_266 : memref<10000x64xf32, #tpu.memory_space<hbm>>) target(%dma_start3A_260 : memref<125x64xf32, #tpu.memory_space<vmem>>) offsets(%dma_start3A_263 : memref<125xi32, #tpu.memory_space<vmem>>) semaphore(%arg12 : memref<!tpu.dma_semaphore, #tpu.memory_space<semaphore_mem>>)
      } else {
      }
      %ge3A = arith.constant 1 : i32
      %ge3A_154 = arith.cmpi sge, %scan3A_125, %ge3A : i32
      %convert_element_type3A_155 = arith.extui %ge3A_154 : i1 to i32
      %cond3A_156 = arith.constant 0 : i32
      %cond3A_157 = arith.cmpi ne, %convert_element_type3A_155, %cond3A_156 : i32
      scf.if %cond3A_157 {
        %sub3A = arith.constant 2 : i32
        %sub3A_255 = arith.subi %add3A_129, %sub3A : i32
        %dma_wait3A_256 = arith.constant 2 : i32
        %dma_wait3A_257 = arith.constant 0 : i32
        %dma_wait3A_258 = arith.constant 0 : i32
        %dma_wait3A_259 = tpu.memref_slice %arg8[%dma_wait3A_256, %dma_wait3A_257, %dma_wait3A_258] : memref<4x125x64xf32, #tpu.memory_space<vmem>> -> memref<1x125x64xf32, #tpu.memory_space<vmem>>
        %dma_wait3A_260 = tpu.memref_squeeze %dma_wait3A_259 : memref<1x125x64xf32, #tpu.memory_space<vmem>> -> memref<125x64xf32, #tpu.memory_space<vmem>>
        %dma_wait3A_261 = arith.constant 0 : i32
        %dma_wait3A_262 = tpu.memref_slice %arg7[%sub3A_255, %dma_wait3A_261] : memref<80x125xi32, #tpu.memory_space<vmem>> -> memref<1x125xi32, #tpu.memory_space<vmem>>
        %dma_wait3A_263 = tpu.memref_squeeze %dma_wait3A_262 : memref<1x125xi32, #tpu.memory_space<vmem>> -> memref<125xi32, #tpu.memory_space<vmem>>
        %dma_wait3A_264 = arith.constant 0 : i32
        %dma_wait3A_265 = arith.constant 0 : i32
        %dma_wait3A_266 = tpu.memref_slice %arg9[%dma_wait3A_264, %dma_wait3A_265] : memref<10240x64xf32, #tpu.memory_space<vmem_shared>> -> memref<10240x64xf32, #tpu.memory_space<vmem_shared>>
        tpu.wait_indirect_dma semaphore(%arg16 : memref<!tpu.dma_semaphore, #tpu.memory_space<semaphore_mem>>) src(%dma_wait3A_260 : memref<125x64xf32, #tpu.memory_space<vmem>>) dst(%dma_wait3A_266 : memref<10240x64xf32, #tpu.memory_space<vmem_shared>>)
        %add3A_267 = arith.constant 2 : i32
        %add3A_268 = arith.addi %add3A_129, %add3A_267 : i32
        %dma_start3A_269 = arith.constant 2 : i32
        %dma_start3A_270 = arith.constant 0 : i32
        %dma_start3A_271 = arith.constant 0 : i32
        %dma_start3A_272 = tpu.memref_slice %arg8[%dma_start3A_269, %dma_start3A_270, %dma_start3A_271] : memref<4x125x64xf32, #tpu.memory_space<vmem>> -> memref<1x125x64xf32, #tpu.memory_space<vmem>>
        %dma_start3A_273 = tpu.memref_squeeze %dma_start3A_272 : memref<1x125x64xf32, #tpu.memory_space<vmem>> -> memref<125x64xf32, #tpu.memory_space<vmem>>
        %dma_start3A_274 = arith.constant 0 : i32
        %dma_start3A_275 = tpu.memref_slice %arg6[%add3A_268, %dma_start3A_274] : memref<80x125xi32, #tpu.memory_space<vmem>> -> memref<1x125xi32, #tpu.memory_space<vmem>>
        %dma_start3A_276 = tpu.memref_squeeze %dma_start3A_275 : memref<1x125xi32, #tpu.memory_space<vmem>> -> memref<125xi32, #tpu.memory_space<vmem>>
        %dma_start3A_277 = arith.constant 0 : i32
        %dma_start3A_278 = arith.constant 0 : i32
        %dma_start3A_279 = tpu.memref_slice %arg2[%dma_start3A_277, %dma_start3A_278] : memref<10000x64xf32, #tpu.memory_space<hbm>> -> memref<10000x64xf32, #tpu.memory_space<hbm>>
        tpu.enqueue_indirect_dma source(%dma_start3A_279 : memref<10000x64xf32, #tpu.memory_space<hbm>>) target(%dma_start3A_273 : memref<125x64xf32, #tpu.memory_space<vmem>>) offsets(%dma_start3A_276 : memref<125xi32, #tpu.memory_space<vmem>>) semaphore(%arg12 : memref<!tpu.dma_semaphore, #tpu.memory_space<semaphore_mem>>)
      } else {
      }
      %mul3A_158 = arith.constant 4 : i32
      %mul3A_159 = arith.muli %mul3A_158, %scan3A_125 : i32
      %add3A_160 = arith.constant 1 : i32
      %add3A_161 = arith.addi %mul3A_159, %add3A_160 : i32
      %dma_wait3A_162 = arith.constant 1 : i32
      %dma_wait3A_163 = arith.constant 0 : i32
      %dma_wait3A_164 = arith.constant 0 : i32
      %dma_wait3A_165 = tpu.memref_slice %arg8[%dma_wait3A_162, %dma_wait3A_163, %dma_wait3A_164] : memref<4x125x64xf32, #tpu.memory_space<vmem>> -> memref<1x125x64xf32, #tpu.memory_space<vmem>>
      %dma_wait3A_166 = tpu.memref_squeeze %dma_wait3A_165 : memref<1x125x64xf32, #tpu.memory_space<vmem>> -> memref<125x64xf32, #tpu.memory_space<vmem>>
      %dma_wait3A_167 = arith.constant 0 : i32
      %dma_wait3A_168 = tpu.memref_slice %arg6[%add3A_161, %dma_wait3A_167] : memref<80x125xi32, #tpu.memory_space<vmem>> -> memref<1x125xi32, #tpu.memory_space<vmem>>
      %dma_wait3A_169 = tpu.memref_squeeze %dma_wait3A_168 : memref<1x125xi32, #tpu.memory_space<vmem>> -> memref<125xi32, #tpu.memory_space<vmem>>
      %dma_wait3A_170 = arith.constant 0 : i32
      %dma_wait3A_171 = arith.constant 0 : i32
      %dma_wait3A_172 = tpu.memref_slice %arg2[%dma_wait3A_170, %dma_wait3A_171] : memref<10000x64xf32, #tpu.memory_space<hbm>> -> memref<10000x64xf32, #tpu.memory_space<hbm>>
      tpu.wait_indirect_dma semaphore(%arg11 : memref<!tpu.dma_semaphore, #tpu.memory_space<semaphore_mem>>) src(%dma_wait3A_172 : memref<10000x64xf32, #tpu.memory_space<hbm>>) dst(%dma_wait3A_166 : memref<125x64xf32, #tpu.memory_space<vmem>>)
      %dma_start3A_173 = arith.constant 1 : i32
      %dma_start3A_174 = arith.constant 0 : i32
      %dma_start3A_175 = arith.constant 0 : i32
      %dma_start3A_176 = tpu.memref_slice %arg8[%dma_start3A_173, %dma_start3A_174, %dma_start3A_175] : memref<4x125x64xf32, #tpu.memory_space<vmem>> -> memref<1x125x64xf32, #tpu.memory_space<vmem>>
      %dma_start3A_177 = tpu.memref_squeeze %dma_start3A_176 : memref<1x125x64xf32, #tpu.memory_space<vmem>> -> memref<125x64xf32, #tpu.memory_space<vmem>>
      %dma_start3A_178 = arith.constant 0 : i32
      %dma_start3A_179 = tpu.memref_slice %arg7[%add3A_161, %dma_start3A_178] : memref<80x125xi32, #tpu.memory_space<vmem>> -> memref<1x125xi32, #tpu.memory_space<vmem>>
      %dma_start3A_180 = tpu.memref_squeeze %dma_start3A_179 : memref<1x125xi32, #tpu.memory_space<vmem>> -> memref<125xi32, #tpu.memory_space<vmem>>
      %dma_start3A_181 = arith.constant 0 : i32
      %dma_start3A_182 = arith.constant 0 : i32
      %dma_start3A_183 = tpu.memref_slice %arg9[%dma_start3A_181, %dma_start3A_182] : memref<10240x64xf32, #tpu.memory_space<vmem_shared>> -> memref<10240x64xf32, #tpu.memory_space<vmem_shared>>
      tpu.enqueue_indirect_dma source(%dma_start3A_177 : memref<125x64xf32, #tpu.memory_space<vmem>>) target(%dma_start3A_183 : memref<10240x64xf32, #tpu.memory_space<vmem_shared>>) offsets(%dma_start3A_180 : memref<125xi32, #tpu.memory_space<vmem>>) semaphore(%arg15 : memref<!tpu.dma_semaphore, #tpu.memory_space<semaphore_mem>>) {add = true}
      %eq3A_184 = arith.constant 0 : i32
      %eq3A_185 = arith.cmpi eq, %scan3A_125, %eq3A_184 : i32
      %convert_element_type3A_186 = arith.extui %eq3A_185 : i1 to i32
      %cond3A_187 = arith.constant 0 : i32
      %cond3A_188 = arith.cmpi ne, %convert_element_type3A_186, %cond3A_187 : i32
      scf.if %cond3A_188 {
        %dma_start3A_255 = arith.constant 3 : i32
        %dma_start3A_256 = arith.constant 3 : i32
        %dma_start3A_257 = arith.constant 0 : i32
        %dma_start3A_258 = arith.constant 0 : i32
        %dma_start3A_259 = tpu.memref_slice %arg8[%dma_start3A_256, %dma_start3A_257, %dma_start3A_258] : memref<4x125x64xf32, #tpu.memory_space<vmem>> -> memref<1x125x64xf32, #tpu.memory_space<vmem>>
        %dma_start3A_260 = tpu.memref_squeeze %dma_start3A_259 : memref<1x125x64xf32, #tpu.memory_space<vmem>> -> memref<125x64xf32, #tpu.memory_space<vmem>>
        %dma_start3A_261 = arith.constant 0 : i32
        %dma_start3A_262 = tpu.memref_slice %arg6[%dma_start3A_255, %dma_start3A_261] : memref<80x125xi32, #tpu.memory_space<vmem>> -> memref<1x125xi32, #tpu.memory_space<vmem>>
        %dma_start3A_263 = tpu.memref_squeeze %dma_start3A_262 : memref<1x125xi32, #tpu.memory_space<vmem>> -> memref<125xi32, #tpu.memory_space<vmem>>
        %dma_start3A_264 = arith.constant 0 : i32
        %dma_start3A_265 = arith.constant 0 : i32
        %dma_start3A_266 = tpu.memref_slice %arg2[%dma_start3A_264, %dma_start3A_265] : memref<10000x64xf32, #tpu.memory_space<hbm>> -> memref<10000x64xf32, #tpu.memory_space<hbm>>
        tpu.enqueue_indirect_dma source(%dma_start3A_266 : memref<10000x64xf32, #tpu.memory_space<hbm>>) target(%dma_start3A_260 : memref<125x64xf32, #tpu.memory_space<vmem>>) offsets(%dma_start3A_263 : memref<125xi32, #tpu.memory_space<vmem>>) semaphore(%arg13 : memref<!tpu.dma_semaphore, #tpu.memory_space<semaphore_mem>>)
      } else {
      }
      %ge3A_189 = arith.constant 1 : i32
      %ge3A_190 = arith.cmpi sge, %scan3A_125, %ge3A_189 : i32
      %convert_element_type3A_191 = arith.extui %ge3A_190 : i1 to i32
      %cond3A_192 = arith.constant 0 : i32
      %cond3A_193 = arith.cmpi ne, %convert_element_type3A_191, %cond3A_192 : i32
      scf.if %cond3A_193 {
        %sub3A = arith.constant 2 : i32
        %sub3A_255 = arith.subi %add3A_161, %sub3A : i32
        %dma_wait3A_256 = arith.constant 3 : i32
        %dma_wait3A_257 = arith.constant 0 : i32
        %dma_wait3A_258 = arith.constant 0 : i32
        %dma_wait3A_259 = tpu.memref_slice %arg8[%dma_wait3A_256, %dma_wait3A_257, %dma_wait3A_258] : memref<4x125x64xf32, #tpu.memory_space<vmem>> -> memref<1x125x64xf32, #tpu.memory_space<vmem>>
        %dma_wait3A_260 = tpu.memref_squeeze %dma_wait3A_259 : memref<1x125x64xf32, #tpu.memory_space<vmem>> -> memref<125x64xf32, #tpu.memory_space<vmem>>
        %dma_wait3A_261 = arith.constant 0 : i32
        %dma_wait3A_262 = tpu.memref_slice %arg7[%sub3A_255, %dma_wait3A_261] : memref<80x125xi32, #tpu.memory_space<vmem>> -> memref<1x125xi32, #tpu.memory_space<vmem>>
        %dma_wait3A_263 = tpu.memref_squeeze %dma_wait3A_262 : memref<1x125xi32, #tpu.memory_space<vmem>> -> memref<125xi32, #tpu.memory_space<vmem>>
        %dma_wait3A_264 = arith.constant 0 : i32
        %dma_wait3A_265 = arith.constant 0 : i32
        %dma_wait3A_266 = tpu.memref_slice %arg9[%dma_wait3A_264, %dma_wait3A_265] : memref<10240x64xf32, #tpu.memory_space<vmem_shared>> -> memref<10240x64xf32, #tpu.memory_space<vmem_shared>>
        tpu.wait_indirect_dma semaphore(%arg17 : memref<!tpu.dma_semaphore, #tpu.memory_space<semaphore_mem>>) src(%dma_wait3A_260 : memref<125x64xf32, #tpu.memory_space<vmem>>) dst(%dma_wait3A_266 : memref<10240x64xf32, #tpu.memory_space<vmem_shared>>)
        %add3A_267 = arith.constant 2 : i32
        %add3A_268 = arith.addi %add3A_161, %add3A_267 : i32
        %dma_start3A_269 = arith.constant 3 : i32
        %dma_start3A_270 = arith.constant 0 : i32
        %dma_start3A_271 = arith.constant 0 : i32
        %dma_start3A_272 = tpu.memref_slice %arg8[%dma_start3A_269, %dma_start3A_270, %dma_start3A_271] : memref<4x125x64xf32, #tpu.memory_space<vmem>> -> memref<1x125x64xf32, #tpu.memory_space<vmem>>
        %dma_start3A_273 = tpu.memref_squeeze %dma_start3A_272 : memref<1x125x64xf32, #tpu.memory_space<vmem>> -> memref<125x64xf32, #tpu.memory_space<vmem>>
        %dma_start3A_274 = arith.constant 0 : i32
        %dma_start3A_275 = tpu.memref_slice %arg6[%add3A_268, %dma_start3A_274] : memref<80x125xi32, #tpu.memory_space<vmem>> -> memref<1x125xi32, #tpu.memory_space<vmem>>
        %dma_start3A_276 = tpu.memref_squeeze %dma_start3A_275 : memref<1x125xi32, #tpu.memory_space<vmem>> -> memref<125xi32, #tpu.memory_space<vmem>>
        %dma_start3A_277 = arith.constant 0 : i32
        %dma_start3A_278 = arith.constant 0 : i32
        %dma_start3A_279 = tpu.memref_slice %arg2[%dma_start3A_277, %dma_start3A_278] : memref<10000x64xf32, #tpu.memory_space<hbm>> -> memref<10000x64xf32, #tpu.memory_space<hbm>>
        tpu.enqueue_indirect_dma source(%dma_start3A_279 : memref<10000x64xf32, #tpu.memory_space<hbm>>) target(%dma_start3A_273 : memref<125x64xf32, #tpu.memory_space<vmem>>) offsets(%dma_start3A_276 : memref<125xi32, #tpu.memory_space<vmem>>) semaphore(%arg13 : memref<!tpu.dma_semaphore, #tpu.memory_space<semaphore_mem>>)
      } else {
      }
      %mul3A_194 = arith.constant 4 : i32
      %mul3A_195 = arith.muli %mul3A_194, %scan3A_125 : i32
      %add3A_196 = arith.constant 2 : i32
      %add3A_197 = arith.addi %mul3A_195, %add3A_196 : i32
      %dma_wait3A_198 = arith.constant 2 : i32
      %dma_wait3A_199 = arith.constant 0 : i32
      %dma_wait3A_200 = arith.constant 0 : i32
      %dma_wait3A_201 = tpu.memref_slice %arg8[%dma_wait3A_198, %dma_wait3A_199, %dma_wait3A_200] : memref<4x125x64xf32, #tpu.memory_space<vmem>> -> memref<1x125x64xf32, #tpu.memory_space<vmem>>
      %dma_wait3A_202 = tpu.memref_squeeze %dma_wait3A_201 : memref<1x125x64xf32, #tpu.memory_space<vmem>> -> memref<125x64xf32, #tpu.memory_space<vmem>>
      %dma_wait3A_203 = arith.constant 0 : i32
      %dma_wait3A_204 = tpu.memref_slice %arg6[%add3A_197, %dma_wait3A_203] : memref<80x125xi32, #tpu.memory_space<vmem>> -> memref<1x125xi32, #tpu.memory_space<vmem>>
      %dma_wait3A_205 = tpu.memref_squeeze %dma_wait3A_204 : memref<1x125xi32, #tpu.memory_space<vmem>> -> memref<125xi32, #tpu.memory_space<vmem>>
      %dma_wait3A_206 = arith.constant 0 : i32
      %dma_wait3A_207 = arith.constant 0 : i32
      %dma_wait3A_208 = tpu.memref_slice %arg2[%dma_wait3A_206, %dma_wait3A_207] : memref<10000x64xf32, #tpu.memory_space<hbm>> -> memref<10000x64xf32, #tpu.memory_space<hbm>>
      tpu.wait_indirect_dma semaphore(%arg12 : memref<!tpu.dma_semaphore, #tpu.memory_space<semaphore_mem>>) src(%dma_wait3A_208 : memref<10000x64xf32, #tpu.memory_space<hbm>>) dst(%dma_wait3A_202 : memref<125x64xf32, #tpu.memory_space<vmem>>)
      %dma_start3A_209 = arith.constant 2 : i32
      %dma_start3A_210 = arith.constant 0 : i32
      %dma_start3A_211 = arith.constant 0 : i32
      %dma_start3A_212 = tpu.memref_slice %arg8[%dma_start3A_209, %dma_start3A_210, %dma_start3A_211] : memref<4x125x64xf32, #tpu.memory_space<vmem>> -> memref<1x125x64xf32, #tpu.memory_space<vmem>>
      %dma_start3A_213 = tpu.memref_squeeze %dma_start3A_212 : memref<1x125x64xf32, #tpu.memory_space<vmem>> -> memref<125x64xf32, #tpu.memory_space<vmem>>
      %dma_start3A_214 = arith.constant 0 : i32
      %dma_start3A_215 = tpu.memref_slice %arg7[%add3A_197, %dma_start3A_214] : memref<80x125xi32, #tpu.memory_space<vmem>> -> memref<1x125xi32, #tpu.memory_space<vmem>>
      %dma_start3A_216 = tpu.memref_squeeze %dma_start3A_215 : memref<1x125xi32, #tpu.memory_space<vmem>> -> memref<125xi32, #tpu.memory_space<vmem>>
      %dma_start3A_217 = arith.constant 0 : i32
      %dma_start3A_218 = arith.constant 0 : i32
      %dma_start3A_219 = tpu.memref_slice %arg9[%dma_start3A_217, %dma_start3A_218] : memref<10240x64xf32, #tpu.memory_space<vmem_shared>> -> memref<10240x64xf32, #tpu.memory_space<vmem_shared>>
      tpu.enqueue_indirect_dma source(%dma_start3A_213 : memref<125x64xf32, #tpu.memory_space<vmem>>) target(%dma_start3A_219 : memref<10240x64xf32, #tpu.memory_space<vmem_shared>>) offsets(%dma_start3A_216 : memref<125xi32, #tpu.memory_space<vmem>>) semaphore(%arg16 : memref<!tpu.dma_semaphore, #tpu.memory_space<semaphore_mem>>) {add = true}
      %le3A = arith.constant 18 : i32
      %le3A_220 = arith.cmpi sle, %scan3A_125, %le3A : i32
      %convert_element_type3A_221 = arith.extui %le3A_220 : i1 to i32
      %cond3A_222 = arith.constant 0 : i32
      %cond3A_223 = arith.cmpi ne, %convert_element_type3A_221, %cond3A_222 : i32
      scf.if %cond3A_223 {
        %sub3A = arith.constant 2 : i32
        %sub3A_255 = arith.subi %add3A_197, %sub3A : i32
        %dma_wait3A_256 = arith.constant 0 : i32
        %dma_wait3A_257 = arith.constant 0 : i32
        %dma_wait3A_258 = arith.constant 0 : i32
        %dma_wait3A_259 = tpu.memref_slice %arg8[%dma_wait3A_256, %dma_wait3A_257, %dma_wait3A_258] : memref<4x125x64xf32, #tpu.memory_space<vmem>> -> memref<1x125x64xf32, #tpu.memory_space<vmem>>
        %dma_wait3A_260 = tpu.memref_squeeze %dma_wait3A_259 : memref<1x125x64xf32, #tpu.memory_space<vmem>> -> memref<125x64xf32, #tpu.memory_space<vmem>>
        %dma_wait3A_261 = arith.constant 0 : i32
        %dma_wait3A_262 = tpu.memref_slice %arg7[%sub3A_255, %dma_wait3A_261] : memref<80x125xi32, #tpu.memory_space<vmem>> -> memref<1x125xi32, #tpu.memory_space<vmem>>
        %dma_wait3A_263 = tpu.memref_squeeze %dma_wait3A_262 : memref<1x125xi32, #tpu.memory_space<vmem>> -> memref<125xi32, #tpu.memory_space<vmem>>
        %dma_wait3A_264 = arith.constant 0 : i32
        %dma_wait3A_265 = arith.constant 0 : i32
        %dma_wait3A_266 = tpu.memref_slice %arg9[%dma_wait3A_264, %dma_wait3A_265] : memref<10240x64xf32, #tpu.memory_space<vmem_shared>> -> memref<10240x64xf32, #tpu.memory_space<vmem_shared>>
        tpu.wait_indirect_dma semaphore(%arg14 : memref<!tpu.dma_semaphore, #tpu.memory_space<semaphore_mem>>) src(%dma_wait3A_260 : memref<125x64xf32, #tpu.memory_space<vmem>>) dst(%dma_wait3A_266 : memref<10240x64xf32, #tpu.memory_space<vmem_shared>>)
        %add3A_267 = arith.constant 2 : i32
        %add3A_268 = arith.addi %add3A_197, %add3A_267 : i32
        %dma_start3A_269 = arith.constant 0 : i32
        %dma_start3A_270 = arith.constant 0 : i32
        %dma_start3A_271 = arith.constant 0 : i32
        %dma_start3A_272 = tpu.memref_slice %arg8[%dma_start3A_269, %dma_start3A_270, %dma_start3A_271] : memref<4x125x64xf32, #tpu.memory_space<vmem>> -> memref<1x125x64xf32, #tpu.memory_space<vmem>>
        %dma_start3A_273 = tpu.memref_squeeze %dma_start3A_272 : memref<1x125x64xf32, #tpu.memory_space<vmem>> -> memref<125x64xf32, #tpu.memory_space<vmem>>
        %dma_start3A_274 = arith.constant 0 : i32
        %dma_start3A_275 = tpu.memref_slice %arg6[%add3A_268, %dma_start3A_274] : memref<80x125xi32, #tpu.memory_space<vmem>> -> memref<1x125xi32, #tpu.memory_space<vmem>>
        %dma_start3A_276 = tpu.memref_squeeze %dma_start3A_275 : memref<1x125xi32, #tpu.memory_space<vmem>> -> memref<125xi32, #tpu.memory_space<vmem>>
        %dma_start3A_277 = arith.constant 0 : i32
        %dma_start3A_278 = arith.constant 0 : i32
        %dma_start3A_279 = tpu.memref_slice %arg2[%dma_start3A_277, %dma_start3A_278] : memref<10000x64xf32, #tpu.memory_space<hbm>> -> memref<10000x64xf32, #tpu.memory_space<hbm>>
        tpu.enqueue_indirect_dma source(%dma_start3A_279 : memref<10000x64xf32, #tpu.memory_space<hbm>>) target(%dma_start3A_273 : memref<125x64xf32, #tpu.memory_space<vmem>>) offsets(%dma_start3A_276 : memref<125xi32, #tpu.memory_space<vmem>>) semaphore(%arg10 : memref<!tpu.dma_semaphore, #tpu.memory_space<semaphore_mem>>)
      } else {
      }
      %mul3A_224 = arith.constant 4 : i32
      %mul3A_225 = arith.muli %mul3A_224, %scan3A_125 : i32
      %add3A_226 = arith.constant 3 : i32
      %add3A_227 = arith.addi %mul3A_225, %add3A_226 : i32
      %dma_wait3A_228 = arith.constant 3 : i32
      %dma_wait3A_229 = arith.constant 0 : i32
      %dma_wait3A_230 = arith.constant 0 : i32
      %dma_wait3A_231 = tpu.memref_slice %arg8[%dma_wait3A_228, %dma_wait3A_229, %dma_wait3A_230] : memref<4x125x64xf32, #tpu.memory_space<vmem>> -> memref<1x125x64xf32, #tpu.memory_space<vmem>>
      %dma_wait3A_232 = tpu.memref_squeeze %dma_wait3A_231 : memref<1x125x64xf32, #tpu.memory_space<vmem>> -> memref<125x64xf32, #tpu.memory_space<vmem>>
      %dma_wait3A_233 = arith.constant 0 : i32
      %dma_wait3A_234 = tpu.memref_slice %arg6[%add3A_227, %dma_wait3A_233] : memref<80x125xi32, #tpu.memory_space<vmem>> -> memref<1x125xi32, #tpu.memory_space<vmem>>
      %dma_wait3A_235 = tpu.memref_squeeze %dma_wait3A_234 : memref<1x125xi32, #tpu.memory_space<vmem>> -> memref<125xi32, #tpu.memory_space<vmem>>
      %dma_wait3A_236 = arith.constant 0 : i32
      %dma_wait3A_237 = arith.constant 0 : i32
      %dma_wait3A_238 = tpu.memref_slice %arg2[%dma_wait3A_236, %dma_wait3A_237] : memref<10000x64xf32, #tpu.memory_space<hbm>> -> memref<10000x64xf32, #tpu.memory_space<hbm>>
      tpu.wait_indirect_dma semaphore(%arg13 : memref<!tpu.dma_semaphore, #tpu.memory_space<semaphore_mem>>) src(%dma_wait3A_238 : memref<10000x64xf32, #tpu.memory_space<hbm>>) dst(%dma_wait3A_232 : memref<125x64xf32, #tpu.memory_space<vmem>>)
      %dma_start3A_239 = arith.constant 3 : i32
      %dma_start3A_240 = arith.constant 0 : i32
      %dma_start3A_241 = arith.constant 0 : i32
      %dma_start3A_242 = tpu.memref_slice %arg8[%dma_start3A_239, %dma_start3A_240, %dma_start3A_241] : memref<4x125x64xf32, #tpu.memory_space<vmem>> -> memref<1x125x64xf32, #tpu.memory_space<vmem>>
      %dma_start3A_243 = tpu.memref_squeeze %dma_start3A_242 : memref<1x125x64xf32, #tpu.memory_space<vmem>> -> memref<125x64xf32, #tpu.memory_space<vmem>>
      %dma_start3A_244 = arith.constant 0 : i32
      %dma_start3A_245 = tpu.memref_slice %arg7[%add3A_227, %dma_start3A_244] : memref<80x125xi32, #tpu.memory_space<vmem>> -> memref<1x125xi32, #tpu.memory_space<vmem>>
      %dma_start3A_246 = tpu.memref_squeeze %dma_start3A_245 : memref<1x125xi32, #tpu.memory_space<vmem>> -> memref<125xi32, #tpu.memory_space<vmem>>
      %dma_start3A_247 = arith.constant 0 : i32
      %dma_start3A_248 = arith.constant 0 : i32
      %dma_start3A_249 = tpu.memref_slice %arg9[%dma_start3A_247, %dma_start3A_248] : memref<10240x64xf32, #tpu.memory_space<vmem_shared>> -> memref<10240x64xf32, #tpu.memory_space<vmem_shared>>
      tpu.enqueue_indirect_dma source(%dma_start3A_243 : memref<125x64xf32, #tpu.memory_space<vmem>>) target(%dma_start3A_249 : memref<10240x64xf32, #tpu.memory_space<vmem_shared>>) offsets(%dma_start3A_246 : memref<125xi32, #tpu.memory_space<vmem>>) semaphore(%arg17 : memref<!tpu.dma_semaphore, #tpu.memory_space<semaphore_mem>>) {add = true}
      %le3A_250 = arith.constant 18 : i32
      %le3A_251 = arith.cmpi sle, %scan3A_125, %le3A_250 : i32
      %convert_element_type3A_252 = arith.extui %le3A_251 : i1 to i32
      %cond3A_253 = arith.constant 0 : i32
      %cond3A_254 = arith.cmpi ne, %convert_element_type3A_252, %cond3A_253 : i32
      scf.if %cond3A_254 {
        %sub3A = arith.constant 2 : i32
        %sub3A_255 = arith.subi %add3A_227, %sub3A : i32
        %dma_wait3A_256 = arith.constant 1 : i32
        %dma_wait3A_257 = arith.constant 0 : i32
        %dma_wait3A_258 = arith.constant 0 : i32
        %dma_wait3A_259 = tpu.memref_slice %arg8[%dma_wait3A_256, %dma_wait3A_257, %dma_wait3A_258] : memref<4x125x64xf32, #tpu.memory_space<vmem>> -> memref<1x125x64xf32, #tpu.memory_space<vmem>>
        %dma_wait3A_260 = tpu.memref_squeeze %dma_wait3A_259 : memref<1x125x64xf32, #tpu.memory_space<vmem>> -> memref<125x64xf32, #tpu.memory_space<vmem>>
        %dma_wait3A_261 = arith.constant 0 : i32
        %dma_wait3A_262 = tpu.memref_slice %arg7[%sub3A_255, %dma_wait3A_261] : memref<80x125xi32, #tpu.memory_space<vmem>> -> memref<1x125xi32, #tpu.memory_space<vmem>>
        %dma_wait3A_263 = tpu.memref_squeeze %dma_wait3A_262 : memref<1x125xi32, #tpu.memory_space<vmem>> -> memref<125xi32, #tpu.memory_space<vmem>>
        %dma_wait3A_264 = arith.constant 0 : i32
        %dma_wait3A_265 = arith.constant 0 : i32
        %dma_wait3A_266 = tpu.memref_slice %arg9[%dma_wait3A_264, %dma_wait3A_265] : memref<10240x64xf32, #tpu.memory_space<vmem_shared>> -> memref<10240x64xf32, #tpu.memory_space<vmem_shared>>
        tpu.wait_indirect_dma semaphore(%arg15 : memref<!tpu.dma_semaphore, #tpu.memory_space<semaphore_mem>>) src(%dma_wait3A_260 : memref<125x64xf32, #tpu.memory_space<vmem>>) dst(%dma_wait3A_266 : memref<10240x64xf32, #tpu.memory_space<vmem_shared>>)
        %add3A_267 = arith.constant 2 : i32
        %add3A_268 = arith.addi %add3A_227, %add3A_267 : i32
        %dma_start3A_269 = arith.constant 1 : i32
        %dma_start3A_270 = arith.constant 0 : i32
        %dma_start3A_271 = arith.constant 0 : i32
        %dma_start3A_272 = tpu.memref_slice %arg8[%dma_start3A_269, %dma_start3A_270, %dma_start3A_271] : memref<4x125x64xf32, #tpu.memory_space<vmem>> -> memref<1x125x64xf32, #tpu.memory_space<vmem>>
        %dma_start3A_273 = tpu.memref_squeeze %dma_start3A_272 : memref<1x125x64xf32, #tpu.memory_space<vmem>> -> memref<125x64xf32, #tpu.memory_space<vmem>>
        %dma_start3A_274 = arith.constant 0 : i32
        %dma_start3A_275 = tpu.memref_slice %arg6[%add3A_268, %dma_start3A_274] : memref<80x125xi32, #tpu.memory_space<vmem>> -> memref<1x125xi32, #tpu.memory_space<vmem>>
        %dma_start3A_276 = tpu.memref_squeeze %dma_start3A_275 : memref<1x125xi32, #tpu.memory_space<vmem>> -> memref<125xi32, #tpu.memory_space<vmem>>
        %dma_start3A_277 = arith.constant 0 : i32
        %dma_start3A_278 = arith.constant 0 : i32
        %dma_start3A_279 = tpu.memref_slice %arg2[%dma_start3A_277, %dma_start3A_278] : memref<10000x64xf32, #tpu.memory_space<hbm>> -> memref<10000x64xf32, #tpu.memory_space<hbm>>
        tpu.enqueue_indirect_dma source(%dma_start3A_279 : memref<10000x64xf32, #tpu.memory_space<hbm>>) target(%dma_start3A_273 : memref<125x64xf32, #tpu.memory_space<vmem>>) offsets(%dma_start3A_276 : memref<125xi32, #tpu.memory_space<vmem>>) semaphore(%arg11 : memref<!tpu.dma_semaphore, #tpu.memory_space<semaphore_mem>>)
      } else {
      }
    }
    %scan3A_71 = arith.constant 20 : i32
    %dma_wait3A_72 = arith.constant 0 : i32
    %dma_wait3A_73 = arith.constant 76 : i32
    %dma_wait3A_74 = arith.constant 0 : i32
    %dma_wait3A_75 = arith.constant 0 : i32
    %dma_wait3A_76 = tpu.memref_slice %arg8[%dma_wait3A_72, %dma_wait3A_74, %dma_wait3A_75] : memref<4x125x64xf32, #tpu.memory_space<vmem>> -> memref<1x125x64xf32, #tpu.memory_space<vmem>>
    %dma_wait3A_77 = tpu.memref_squeeze %dma_wait3A_76 : memref<1x125x64xf32, #tpu.memory_space<vmem>> -> memref<125x64xf32, #tpu.memory_space<vmem>>
    %dma_wait3A_78 = arith.constant 0 : i32
    %dma_wait3A_79 = tpu.memref_slice %arg7[%dma_wait3A_73, %dma_wait3A_78] : memref<80x125xi32, #tpu.memory_space<vmem>> -> memref<1x125xi32, #tpu.memory_space<vmem>>
    %dma_wait3A_80 = tpu.memref_squeeze %dma_wait3A_79 : memref<1x125xi32, #tpu.memory_space<vmem>> -> memref<125xi32, #tpu.memory_space<vmem>>
    %dma_wait3A_81 = arith.constant 0 : i32
    %dma_wait3A_82 = arith.constant 0 : i32
    %dma_wait3A_83 = tpu.memref_slice %arg9[%dma_wait3A_81, %dma_wait3A_82] : memref<10240x64xf32, #tpu.memory_space<vmem_shared>> -> memref<10240x64xf32, #tpu.memory_space<vmem_shared>>
    tpu.wait_indirect_dma semaphore(%arg14 : memref<!tpu.dma_semaphore, #tpu.memory_space<semaphore_mem>>) src(%dma_wait3A_77 : memref<125x64xf32, #tpu.memory_space<vmem>>) dst(%dma_wait3A_83 : memref<10240x64xf32, #tpu.memory_space<vmem_shared>>)
    %dma_wait3A_84 = arith.constant 1 : i32
    %dma_wait3A_85 = arith.constant 77 : i32
    %dma_wait3A_86 = arith.constant 0 : i32
    %dma_wait3A_87 = arith.constant 0 : i32
    %dma_wait3A_88 = tpu.memref_slice %arg8[%dma_wait3A_84, %dma_wait3A_86, %dma_wait3A_87] : memref<4x125x64xf32, #tpu.memory_space<vmem>> -> memref<1x125x64xf32, #tpu.memory_space<vmem>>
    %dma_wait3A_89 = tpu.memref_squeeze %dma_wait3A_88 : memref<1x125x64xf32, #tpu.memory_space<vmem>> -> memref<125x64xf32, #tpu.memory_space<vmem>>
    %dma_wait3A_90 = arith.constant 0 : i32
    %dma_wait3A_91 = tpu.memref_slice %arg7[%dma_wait3A_85, %dma_wait3A_90] : memref<80x125xi32, #tpu.memory_space<vmem>> -> memref<1x125xi32, #tpu.memory_space<vmem>>
    %dma_wait3A_92 = tpu.memref_squeeze %dma_wait3A_91 : memref<1x125xi32, #tpu.memory_space<vmem>> -> memref<125xi32, #tpu.memory_space<vmem>>
    %dma_wait3A_93 = arith.constant 0 : i32
    %dma_wait3A_94 = arith.constant 0 : i32
    %dma_wait3A_95 = tpu.memref_slice %arg9[%dma_wait3A_93, %dma_wait3A_94] : memref<10240x64xf32, #tpu.memory_space<vmem_shared>> -> memref<10240x64xf32, #tpu.memory_space<vmem_shared>>
    tpu.wait_indirect_dma semaphore(%arg15 : memref<!tpu.dma_semaphore, #tpu.memory_space<semaphore_mem>>) src(%dma_wait3A_89 : memref<125x64xf32, #tpu.memory_space<vmem>>) dst(%dma_wait3A_95 : memref<10240x64xf32, #tpu.memory_space<vmem_shared>>)
    %dma_wait3A_96 = arith.constant 2 : i32
    %dma_wait3A_97 = arith.constant 78 : i32
    %dma_wait3A_98 = arith.constant 0 : i32
    %dma_wait3A_99 = arith.constant 0 : i32
    %dma_wait3A_100 = tpu.memref_slice %arg8[%dma_wait3A_96, %dma_wait3A_98, %dma_wait3A_99] : memref<4x125x64xf32, #tpu.memory_space<vmem>> -> memref<1x125x64xf32, #tpu.memory_space<vmem>>
    %dma_wait3A_101 = tpu.memref_squeeze %dma_wait3A_100 : memref<1x125x64xf32, #tpu.memory_space<vmem>> -> memref<125x64xf32, #tpu.memory_space<vmem>>
    %dma_wait3A_102 = arith.constant 0 : i32
    %dma_wait3A_103 = tpu.memref_slice %arg7[%dma_wait3A_97, %dma_wait3A_102] : memref<80x125xi32, #tpu.memory_space<vmem>> -> memref<1x125xi32, #tpu.memory_space<vmem>>
    %dma_wait3A_104 = tpu.memref_squeeze %dma_wait3A_103 : memref<1x125xi32, #tpu.memory_space<vmem>> -> memref<125xi32, #tpu.memory_space<vmem>>
    %dma_wait3A_105 = arith.constant 0 : i32
    %dma_wait3A_106 = arith.constant 0 : i32
    %dma_wait3A_107 = tpu.memref_slice %arg9[%dma_wait3A_105, %dma_wait3A_106] : memref<10240x64xf32, #tpu.memory_space<vmem_shared>> -> memref<10240x64xf32, #tpu.memory_space<vmem_shared>>
    tpu.wait_indirect_dma semaphore(%arg16 : memref<!tpu.dma_semaphore, #tpu.memory_space<semaphore_mem>>) src(%dma_wait3A_101 : memref<125x64xf32, #tpu.memory_space<vmem>>) dst(%dma_wait3A_107 : memref<10240x64xf32, #tpu.memory_space<vmem_shared>>)
    %dma_wait3A_108 = arith.constant 3 : i32
    %dma_wait3A_109 = arith.constant 79 : i32
    %dma_wait3A_110 = arith.constant 0 : i32
    %dma_wait3A_111 = arith.constant 0 : i32
    %dma_wait3A_112 = tpu.memref_slice %arg8[%dma_wait3A_108, %dma_wait3A_110, %dma_wait3A_111] : memref<4x125x64xf32, #tpu.memory_space<vmem>> -> memref<1x125x64xf32, #tpu.memory_space<vmem>>
    %dma_wait3A_113 = tpu.memref_squeeze %dma_wait3A_112 : memref<1x125x64xf32, #tpu.memory_space<vmem>> -> memref<125x64xf32, #tpu.memory_space<vmem>>
    %dma_wait3A_114 = arith.constant 0 : i32
    %dma_wait3A_115 = tpu.memref_slice %arg7[%dma_wait3A_109, %dma_wait3A_114] : memref<80x125xi32, #tpu.memory_space<vmem>> -> memref<1x125xi32, #tpu.memory_space<vmem>>
    %dma_wait3A_116 = tpu.memref_squeeze %dma_wait3A_115 : memref<1x125xi32, #tpu.memory_space<vmem>> -> memref<125xi32, #tpu.memory_space<vmem>>
    %dma_wait3A_117 = arith.constant 0 : i32
    %dma_wait3A_118 = arith.constant 0 : i32
    %dma_wait3A_119 = tpu.memref_slice %arg9[%dma_wait3A_117, %dma_wait3A_118] : memref<10240x64xf32, #tpu.memory_space<vmem_shared>> -> memref<10240x64xf32, #tpu.memory_space<vmem_shared>>
    tpu.wait_indirect_dma semaphore(%arg17 : memref<!tpu.dma_semaphore, #tpu.memory_space<semaphore_mem>>) src(%dma_wait3A_113 : memref<125x64xf32, #tpu.memory_space<vmem>>) dst(%dma_wait3A_119 : memref<10240x64xf32, #tpu.memory_space<vmem_shared>>)
    %barrier3A_120 = arith.constant 0 : index
    tpu.barrier barrier_id(%barrier3A_120)
    %mul3A_121 = arith.constant 640 : i32
    %mul3A_122 = arith.muli %arg1, %mul3A_121 : i32
    %mul3A_123 = arith.constant 640 : i32
    %mul3A_124 = arith.muli %arg1, %mul3A_123 : i32
    "tpu.region"() ({
      %run_scoped3A = tpu.sem_alloc : memref<!tpu.dma_semaphore, #tpu.memory_space<semaphore_mem>>
      %dma_start3A_125 = arith.constant 0 : i32
      %dma_start3A_126 = tpu.memref_slice %arg5[%arg0, %mul3A_124, %dma_start3A_125] : memref<2x10240x64xf32, #tpu.memory_space<hbm>> -> memref<1x640x64xf32, #tpu.memory_space<hbm>>
      %dma_start3A_127 = tpu.memref_squeeze %dma_start3A_126 : memref<1x640x64xf32, #tpu.memory_space<hbm>> -> memref<640x64xf32, #tpu.memory_space<hbm>>
      %dma_start3A_128 = arith.constant 0 : i32
      %dma_start3A_129 = tpu.memref_slice %arg9[%mul3A_122, %dma_start3A_128] : memref<10240x64xf32, #tpu.memory_space<vmem_shared>> -> memref<640x64xf32, #tpu.memory_space<vmem_shared>>
      tpu.enqueue_dma source(%dma_start3A_129 : memref<640x64xf32, #tpu.memory_space<vmem_shared>>) target(%dma_start3A_127 : memref<640x64xf32, #tpu.memory_space<hbm>>) target_semaphore(%run_scoped3A : memref<!tpu.dma_semaphore, #tpu.memory_space<semaphore_mem>>)
      %dma_wait3A_130 = arith.constant 0 : i32
      %dma_wait3A_131 = tpu.memref_slice %arg5[%arg0, %mul3A_124, %dma_wait3A_130] : memref<2x10240x64xf32, #tpu.memory_space<hbm>> -> memref<1x640x64xf32, #tpu.memory_space<hbm>>
      %dma_wait3A_132 = tpu.memref_squeeze %dma_wait3A_131 : memref<1x640x64xf32, #tpu.memory_space<hbm>> -> memref<640x64xf32, #tpu.memory_space<hbm>>
      %dma_wait3A_133 = arith.constant 0 : i32
      %dma_wait3A_134 = tpu.memref_slice %arg9[%mul3A_122, %dma_wait3A_133] : memref<10240x64xf32, #tpu.memory_space<vmem_shared>> -> memref<640x64xf32, #tpu.memory_space<vmem_shared>>
      tpu.wait_dma2 semaphore(%run_scoped3A : memref<!tpu.dma_semaphore, #tpu.memory_space<semaphore_mem>>) src(%dma_wait3A_134 : memref<640x64xf32, #tpu.memory_space<vmem_shared>>) dst(%dma_wait3A_132 : memref<640x64xf32, #tpu.memory_space<hbm>>)
      tpu.yield
    }) : () -> ()
    return
  }
}

module attributes {stable_mosaic.version = 14 : i64} {
  func.func @_tc0_body(%arg0: memref<10000x128xf32, #tpu.memory_space<vmem>>, %arg1: memref<128x64xf32, #tpu.memory_space<vmem>>, %arg2: memref<10000x64xf32, #tpu.memory_space<vmem>>) attributes {dimension_semantics = [], scalar_prefetch = 0 : i64, scratch_operands = 0 : i64, tpu.core_type = #tpu.core_type<tc>} {
    %get3A = arith.constant 0 : index
    %get3A_0 = arith.constant 0 : index
    %get3A_1 = vector.load %arg0[%get3A, %get3A_0] : memref<10000x128xf32, #tpu.memory_space<vmem>>, vector<10000x128xf32>
    %get3A_2 = arith.constant 0 : index
    %get3A_3 = arith.constant 0 : index
    %get3A_4 = vector.load %arg1[%get3A_2, %get3A_3] : memref<128x64xf32, #tpu.memory_space<vmem>>, vector<128x64xf32>
    %dot_general3A = arith.constant dense<0.000000e+00> : vector<10000x64xf32>
    %dot_general3A_5 = tpu.matmul %get3A_1, %get3A_4, %dot_general3A {dimension_numbers = #tpu.dot_dimension_numbers<[1], [0], [0], [1], [0, 0, 1, 1], [], []>, transpose_lhs_hint = false} : vector<10000x128xf32>, vector<128x64xf32>, vector<10000x64xf32> -> vector<10000x64xf32>
    %swap3A = arith.constant 0 : index
    %swap3A_6 = arith.constant 0 : index
    %swap3A_7 = vector.load %arg2[%swap3A, %swap3A_6] : memref<10000x64xf32, #tpu.memory_space<vmem>>, vector<10000x64xf32>
    tpu.vector_store %arg2[%swap3A, %swap3A_6], %dot_general3A_5 {strides = array<i32>} : memref<10000x64xf32, #tpu.memory_space<vmem>>, vector<10000x64xf32>,
    return
  }
}

module attributes {stable_mosaic.version = 14 : i64} {
  func.func @_tc1_body(%arg0: memref<10000x64xf32, #tpu.memory_space<vmem>>, %arg1: memref<2x10240x8xf32, #tpu.memory_space<vmem>>, %arg2: memref<10000x64xf32, #tpu.memory_space<vmem>>, %arg3: memref<10000x1xf32, #tpu.memory_space<vmem>>) attributes {dimension_semantics = [], scalar_prefetch = 0 : i64, scratch_operands = 0 : i64, tpu.core_type = #tpu.core_type<tc>} {
    %get3A = arith.constant 0 : index
    %get3A_0 = arith.constant 0 : index
    %get3A_1 = arith.constant 0 : index
    %get3A_2 = vector.load %arg1[%get3A, %get3A_0, %get3A_1] : memref<2x10240x8xf32, #tpu.memory_space<vmem>>, vector<1x10000x1xf32>
    %get3A_3 = vector.shape_cast %get3A_2 : vector<1x10000x1xf32> to vector<10000x1xf32>
    %get3A_4 = arith.constant 1 : index
    %get3A_5 = arith.constant 0 : index
    %get3A_6 = arith.constant 0 : index
    %get3A_7 = vector.load %arg1[%get3A_4, %get3A_5, %get3A_6] : memref<2x10240x8xf32, #tpu.memory_space<vmem>>, vector<1x10000x1xf32>
    %get3A_8 = vector.shape_cast %get3A_7 : vector<1x10000x1xf32> to vector<10000x1xf32>
    %add3A = arith.addf %get3A_3, %get3A_8 : vector<10000x1xf32>
    %add3A_9 = arith.constant 1.000000e+00 : f32
    %add3A_10 = vector.broadcast %add3A_9 : f32 to vector<10000x1xf32>
    %add3A_11 = arith.addf %add3A, %add3A_10 : vector<10000x1xf32>
    %rsqrt3A = math.rsqrt %add3A_11 : vector<10000x1xf32>
    %swap3A = arith.constant 0 : index
    %swap3A_12 = arith.constant 0 : index
    %swap3A_13 = vector.load %arg3[%swap3A, %swap3A_12] : memref<10000x1xf32, #tpu.memory_space<vmem>>, vector<10000x1xf32>
    tpu.vector_store %arg3[%swap3A, %swap3A_12], %rsqrt3A {strides = array<i32>} : memref<10000x1xf32, #tpu.memory_space<vmem>>, vector<10000x1xf32>,
    %get3A_14 = arith.constant 0 : index
    %get3A_15 = arith.constant 0 : index
    %get3A_16 = vector.load %arg0[%get3A_14, %get3A_15] : memref<10000x64xf32, #tpu.memory_space<vmem>>, vector<10000x64xf32>
    %mul3A = vector.broadcast %rsqrt3A : vector<10000x1xf32> to vector<10000x64xf32>
    %mul3A_17 = arith.mulf %get3A_16, %mul3A : vector<10000x64xf32>
    %swap3A_18 = arith.constant 0 : index
    %swap3A_19 = arith.constant 0 : index
    %swap3A_20 = vector.load %arg2[%swap3A_18, %swap3A_19] : memref<10000x64xf32, #tpu.memory_space<vmem>>, vector<10000x64xf32>
    tpu.vector_store %arg2[%swap3A_18, %swap3A_19], %mul3A_17 {strides = array<i32>} : memref<10000x64xf32, #tpu.memory_space<vmem>>, vector<10000x64xf32>,
    return
  }
}

module attributes {stable_mosaic.version = 14 : i64} {
  func.func @_tc2_body(%arg0: memref<2x10240x64xf32, #tpu.memory_space<vmem>>, %arg1: memref<10000x64xf32, #tpu.memory_space<vmem>>, %arg2: memref<10000x1xf32, #tpu.memory_space<vmem>>, %arg3: memref<1x64xf32, #tpu.memory_space<vmem>>, %arg4: memref<1x64xf32, #tpu.memory_space<vmem>>, %arg5: memref<1x64xf32, #tpu.memory_space<vmem>>, %arg6: memref<64x48xf32, #tpu.memory_space<vmem>>, %arg7: memref<10000x48xf32, #tpu.memory_space<vmem>>) attributes {dimension_semantics = [], scalar_prefetch = 0 : i64, scratch_operands = 0 : i64, tpu.core_type = #tpu.core_type<tc>} {
    %get3A = arith.constant 0 : index
    %get3A_0 = arith.constant 0 : index
    %get3A_1 = vector.load %arg2[%get3A, %get3A_0] : memref<10000x1xf32, #tpu.memory_space<vmem>>, vector<10000x1xf32>
    %get3A_2 = arith.constant 0 : index
    %get3A_3 = arith.constant 0 : index
    %get3A_4 = arith.constant 0 : index
    %get3A_5 = vector.load %arg0[%get3A_2, %get3A_3, %get3A_4] : memref<2x10240x64xf32, #tpu.memory_space<vmem>>, vector<1x10000x64xf32>
    %get3A_6 = vector.shape_cast %get3A_5 : vector<1x10000x64xf32> to vector<10000x64xf32>
    %get3A_7 = arith.constant 1 : index
    %get3A_8 = arith.constant 0 : index
    %get3A_9 = arith.constant 0 : index
    %get3A_10 = vector.load %arg0[%get3A_7, %get3A_8, %get3A_9] : memref<2x10240x64xf32, #tpu.memory_space<vmem>>, vector<1x10000x64xf32>
    %get3A_11 = vector.shape_cast %get3A_10 : vector<1x10000x64xf32> to vector<10000x64xf32>
    %add3A = arith.addf %get3A_6, %get3A_11 : vector<10000x64xf32>
    %get3A_12 = arith.constant 0 : index
    %get3A_13 = arith.constant 0 : index
    %get3A_14 = vector.load %arg1[%get3A_12, %get3A_13] : memref<10000x64xf32, #tpu.memory_space<vmem>>, vector<10000x64xf32>
    %add3A_15 = arith.addf %add3A, %get3A_14 : vector<10000x64xf32>
    %mul3A = vector.broadcast %get3A_1 : vector<10000x1xf32> to vector<10000x64xf32>
    %mul3A_16 = arith.mulf %add3A_15, %mul3A : vector<10000x64xf32>
    %get3A_17 = arith.constant 0 : index
    %get3A_18 = arith.constant 0 : index
    %get3A_19 = vector.load %arg5[%get3A_17, %get3A_18] : memref<1x64xf32, #tpu.memory_space<vmem>>, vector<1x64xf32>
    %add3A_20 = vector.broadcast %get3A_19 : vector<1x64xf32> to vector<10000x64xf32>
    %add3A_21 = arith.addf %mul3A_16, %add3A_20 : vector<10000x64xf32>
    %get3A_22 = arith.constant 0 : index
    %get3A_23 = arith.constant 0 : index
    %get3A_24 = vector.load %arg3[%get3A_22, %get3A_23] : memref<1x64xf32, #tpu.memory_space<vmem>>, vector<1x64xf32>
    %mul3A_25 = arith.constant 0.999994993 : f32
    %mul3A_26 = vector.broadcast %mul3A_25 : f32 to vector<10000x64xf32>
    %mul3A_27 = arith.mulf %add3A_21, %mul3A_26 : vector<10000x64xf32>
    %mul3A_28 = vector.broadcast %get3A_24 : vector<1x64xf32> to vector<10000x64xf32>
    %mul3A_29 = arith.mulf %mul3A_28, %mul3A_27 : vector<10000x64xf32>
    %get3A_30 = arith.constant 0 : index
    %get3A_31 = arith.constant 0 : index
    %get3A_32 = vector.load %arg4[%get3A_30, %get3A_31] : memref<1x64xf32, #tpu.memory_space<vmem>>, vector<1x64xf32>
    %add3A_33 = vector.broadcast %get3A_32 : vector<1x64xf32> to vector<10000x64xf32>
    %add3A_34 = arith.addf %mul3A_29, %add3A_33 : vector<10000x64xf32>
    %max3A = arith.constant 0.000000e+00 : f32
    %max3A_35 = vector.broadcast %max3A : f32 to vector<10000x64xf32>
    %max3A_36 = arith.maximumf %add3A_34, %max3A_35 : vector<10000x64xf32>
    %get3A_37 = arith.constant 0 : index
    %get3A_38 = arith.constant 0 : index
    %get3A_39 = vector.load %arg6[%get3A_37, %get3A_38] : memref<64x48xf32, #tpu.memory_space<vmem>>, vector<64x48xf32>
    %dot_general3A = arith.constant dense<0.000000e+00> : vector<10000x48xf32>
    %dot_general3A_40 = tpu.matmul %max3A_36, %get3A_39, %dot_general3A {dimension_numbers = #tpu.dot_dimension_numbers<[1], [0], [0], [1], [0, 0, 1, 1], [], []>, transpose_lhs_hint = false} : vector<10000x64xf32>, vector<64x48xf32>, vector<10000x48xf32> -> vector<10000x48xf32>
    %mul3A_41 = vector.broadcast %get3A_1 : vector<10000x1xf32> to vector<10000x48xf32>
    %mul3A_42 = arith.mulf %dot_general3A_40, %mul3A_41 : vector<10000x48xf32>
    %swap3A = arith.constant 0 : index
    %swap3A_43 = arith.constant 0 : index
    %swap3A_44 = vector.load %arg7[%swap3A, %swap3A_43] : memref<10000x48xf32, #tpu.memory_space<vmem>>, vector<10000x48xf32>
    tpu.vector_store %arg7[%swap3A, %swap3A_43], %mul3A_42 {strides = array<i32>} : memref<10000x48xf32, #tpu.memory_space<vmem>>, vector<10000x48xf32>,
    return
  }
}

module attributes {stable_mosaic.version = 14 : i64} {
  func.func @_tc3_body(%arg0: memref<2x10240x48xf32, #tpu.memory_space<vmem>>, %arg1: memref<10000x48xf32, #tpu.memory_space<vmem>>, %arg2: memref<10000x1xf32, #tpu.memory_space<vmem>>, %arg3: memref<1x48xf32, #tpu.memory_space<vmem>>, %arg4: memref<10000x40xf32, #tpu.memory_space<vmem>>) attributes {dimension_semantics = [], scalar_prefetch = 0 : i64, scratch_operands = 0 : i64, tpu.core_type = #tpu.core_type<tc>} {
    %get3A = arith.constant 0 : index
    %get3A_0 = arith.constant 0 : index
    %get3A_1 = arith.constant 0 : index
    %get3A_2 = vector.load %arg0[%get3A, %get3A_0, %get3A_1] : memref<2x10240x48xf32, #tpu.memory_space<vmem>>, vector<1x10000x48xf32>
    %get3A_3 = vector.shape_cast %get3A_2 : vector<1x10000x48xf32> to vector<10000x48xf32>
    %get3A_4 = arith.constant 1 : index
    %get3A_5 = arith.constant 0 : index
    %get3A_6 = arith.constant 0 : index
    %get3A_7 = vector.load %arg0[%get3A_4, %get3A_5, %get3A_6] : memref<2x10240x48xf32, #tpu.memory_space<vmem>>, vector<1x10000x48xf32>
    %get3A_8 = vector.shape_cast %get3A_7 : vector<1x10000x48xf32> to vector<10000x48xf32>
    %add3A = arith.addf %get3A_3, %get3A_8 : vector<10000x48xf32>
    %get3A_9 = arith.constant 0 : index
    %get3A_10 = arith.constant 0 : index
    %get3A_11 = vector.load %arg1[%get3A_9, %get3A_10] : memref<10000x48xf32, #tpu.memory_space<vmem>>, vector<10000x48xf32>
    %add3A_12 = arith.addf %add3A, %get3A_11 : vector<10000x48xf32>
    %get3A_13 = arith.constant 0 : index
    %get3A_14 = arith.constant 0 : index
    %get3A_15 = vector.load %arg2[%get3A_13, %get3A_14] : memref<10000x1xf32, #tpu.memory_space<vmem>>, vector<10000x1xf32>
    %mul3A = vector.broadcast %get3A_15 : vector<10000x1xf32> to vector<10000x48xf32>
    %mul3A_16 = arith.mulf %add3A_12, %mul3A : vector<10000x48xf32>
    %get3A_17 = arith.constant 0 : index
    %get3A_18 = arith.constant 0 : index
    %get3A_19 = vector.load %arg3[%get3A_17, %get3A_18] : memref<1x48xf32, #tpu.memory_space<vmem>>, vector<1x48xf32>
    %add3A_20 = vector.broadcast %get3A_19 : vector<1x48xf32> to vector<10000x48xf32>
    %add3A_21 = arith.addf %mul3A_16, %add3A_20 : vector<10000x48xf32>
    %slice3A = vector.extract_strided_slice %add3A_21 {offsets = [0, 0], sizes = [10000, 40], strides = [1, 1]} : vector<10000x48xf32> to vector<10000x40xf32>
    %swap3A = arith.constant 0 : index
    %swap3A_22 = arith.constant 0 : index
    %swap3A_23 = vector.load %arg4[%swap3A, %swap3A_22] : memref<10000x40xf32, #tpu.memory_space<vmem>>, vector<10000x40xf32>
    tpu.vector_store %arg4[%swap3A, %swap3A_22], %slice3A {strides = array<i32>} : memref<10000x40xf32, #tpu.memory_space<vmem>>, vector<10000x40xf32>,
    return
  }
}

</mosaic_0001>

<sc_bundles>
// kernel: kernel.12.cloned.1.call-start
scs
__scs_entry_jumppad:
0x0: {  	(pc) =	sbr.rel $0x88, $3  }
0x1: {  	(tag) =	ssettag $0x0;
	lr =	simm.s32 $0x1  }
0x2: {  	[smem:$0x3F99] =	sst lr;
	_ =	strace $0xD0000000  }
0x3: {  	_ = 	snop  }
0x4: {  	_ = 	snop  }
0x5: {  	_ = 	snop  }
0x6: {  	_ = 	snop  }
0x7: {  	_ = 	snop  }
__scs_overlays_trampoline_lowered:
0x8: {  	[smem:$0x3FA8] =	sst s0  }
0x9: {  	[smem:$0x3FA9] =	sst s1  }
0xa: {  	[smem:$0x3FAA] =	sst s2  }
0xb: {  	[smem:$0x3FAB] =	sst s3  }
0xc: {  	[smem:$0x3FAC] =	sst s4  }
0xd: {  	[smem:$0x3FAD] =	sst s5  }
0xe: {  	[smem:$0x3FAE] =	sst s6  }
0xf: {  	[smem:$0x3FAF] =	sst s7  }
0x10: {  	[smem:$0x3FB0] =	sst s8  }
0x11: {  	[smem:$0x3FB1] =	sst s9;
	s0 =	simm.s32 @!p0 $0x0  }
0x12: {  	s1 =	sld [smem:$0x3F97];
	s0 =	simm.s32 @p0 $0x1  }
0x13: {  	[smem:$0x3FB2] =	sst s0;
	s0 =	simm.s32 @!p1 $0x0  }
0x14: {  	s2 =	sld [smem:$0x3F96];
	s0 =	simm.s32 @p1 $0x1  }
0x15: {  	[smem:$0x3FB3] =	sst s0;
	s0 =	simm.s32 @!p2 $0x0  }
0x16: {  	s3 =	sld [smem:$0x3FDB];
	s0 =	simm.s32 @p2 $0x1  }
0x17: {  	s4 =	simm.s32 $0x1BF5;
	[smem:$0x3FB5] =	sst s0  }
0x18: {  	s0 =	sld [smem:$0x3F98];
	_ =	swait.ge [sflag:s4], $0x0  }
0x19: {  	s7 =	sld [smem:$0x3F99]  }
0x1a: {  	s8 =	sadd.s32 $0xFFFFE003, lr  }
0x1b: {  	s9 =	sadd.s32 $0xFFFFFEF7, lr;
	s5 =	simm.s32 $0xFFFFFFFF;
	p2 =	slt.u32 s8, $0xFFFFF086  }
0x1c: {  	p1 =	slt.u32 s9, $0xF7A;
	s5 =	simm.s32 @!p2 $0x0  }
0x1d: {  	s5 =	simm.s32 @p1 $0x1;
	p0 =	seq.s32 s7, s2  }
0x1e: {  	s7 =	smul.u32 @!p0 $0xF7A, s2;
	p2 =	seq.s32 @!p0 s5, $0x0  }
0x1f: {  	s9 =	smul.u32 $0xF7A, s1;
	s8 =	simm.s32 @!p0 $0x1BF5;
	p2 =	por !p2, p0  }
0x20: {  	[sflag:s8] =	ssyncset.s32 @!p0 $0xFFFFF086;
	s6 =	sadd.s32 @!p0 s3, s7;
	s7 =	simm.s32 @!p0 $0x108  }
0x21: {  	s3 =	sadd.s32 s3, s9;
	s6 =	sadd.s32 @!p0 $0x88, s6;
	s7 =	simm.s32 @p2 $0x1082  }
0x22: {  	[simem:s7], [sflag:s8] =	dma.local @!p0 [hbm:s6], $0xF7A  }
0x23: {  	s9 =	sor.u32 $0xD0000000, s2;
	s6 =	simm.s32 $0x108;
	_ =	swait.ge @!p0 [sflag:s8], $0x0  }
0x24: {  	s3 =	sadd.s32 $0x88, s3;
	s6 =	simm.s32 @!p1 $0x1082;
	[sflag:s4] =	ssyncset.s32 $0xFFFFF086  }
0x25: {  	[simem:s6], [sflag:s4] =	dma.local [hbm:s3], $0xF7A  }
0x26: {  	[smem:$0x3F99] =	sst s1;
	(tag) =	ssettag s2;
	_ =	strace s9  }
0x27: {  	s1 =	sld [smem:$0x3FA9]  }
0x28: {  	s2 =	sld [smem:$0x3FAA]  }
0x29: {  	s4 =	sld [smem:$0x3FAC]  }
0x2a: {  	p0 =	seq.s32 s5, $0x0;
	s5 =	sld [smem:$0x3FAD]  }
0x2b: {  	s6 =	sld [smem:$0x3FAE]  }
0x2c: {  	s7 =	sld [smem:$0x3FAF]  }
0x2d: {  	s3 =	simm.s32 $0x108;
	s8 =	sld [smem:$0x3FB0]  }
0x2e: {  	s3 =	simm.s32 @!p0 $0x1082;
	s9 =	sld [smem:$0x3FB1]  }
0x2f: {  	lr =	sadd.s32 s0, s3;
	s0 =	sld [smem:$0x3FA8]  }
0x30: {  	s3 =	sld [smem:$0x3FAB]  }
0x31: {  	[smem:$0x3FB4] =	sst s10  }
0x32: {  	s10 =	sld [smem:$0x3FB2];
	_ =	sdelay $0x3  }
0x33: {  	p0 =	seq.s32 s10, $0x1;
	s10 =	sld [smem:$0x3FB4];
	_ =	sdelay $0x3  }
0x34: {  	[smem:$0x3FB4] =	sst s10  }
0x35: {  	s10 =	sld [smem:$0x3FB3];
	_ =	sdelay $0x3  }
0x36: {  	p1 =	seq.s32 s10, $0x1;
	s10 =	sld [smem:$0x3FB4];
	_ =	sdelay $0x3  }
0x37: {  	[smem:$0x3FB4] =	sst s10  }
0x38: {  	s10 =	sld [smem:$0x3FB5]  }
0x39: {  	_ = 	snop;
	(pc) =	sbr.ind lr, $3  }
0x3a: {  	_ = 	snop  }
0x3b: {  	_ = 	snop  }
0x3c: {  	p2 =	seq.s32 s10, $0x1;
	s10 =	sld [smem:$0x3FB4]  }
0x3d: {  	_ =	shalt  }
0x3e: {  	_ =	shalt  }
0x3f: {  	_ =	shalt  }
0x40: {  	_ =	shalt  }
0x41: {  	_ =	shalt  }
0x42: {  	_ =	shalt  }
0x43: {  	_ =	shalt  }
0x44: {  	_ =	shalt  }
0x45: {  	_ =	shalt  }
0x46: {  	_ =	shalt  }
0x47: {  	_ =	shalt  }
0x48: {  	_ =	shalt  }
0x49: {  	_ =	shalt  }
0x4a: {  	_ =	shalt  }
0x4b: {  	_ =	shalt  }
0x4c: {  	_ =	shalt  }
0x4d: {  	_ =	shalt  }
0x4e: {  	_ =	shalt  }
0x4f: {  	_ =	shalt  }
0x50: {  	_ =	shalt  }
0x51: {  	_ =	shalt  }
0x52: {  	_ =	shalt  }
0x53: {  	_ =	shalt  }
0x54: {  	_ =	shalt  }
0x55: {  	_ =	shalt  }
0x56: {  	_ =	shalt  }
0x57: {  	_ =	shalt  }
0x58: {  	_ =	shalt  }
0x59: {  	_ =	shalt  }
0x5a: {  	_ =	shalt  }
0x5b: {  	_ =	shalt  }
0x5c: {  	_ =	shalt  }
0x5d: {  	_ =	shalt  }
0x5e: {  	_ =	shalt  }
0x5f: {  	_ =	shalt  }
0x60: {  	_ =	shalt  }
0x61: {  	_ =	shalt  }
0x62: {  	_ =	shalt  }
0x63: {  	_ =	shalt  }
0x64: {  	_ =	shalt  }
0x65: {  	_ =	shalt  }
0x66: {  	_ =	shalt  }
0x67: {  	_ =	shalt  }
0x68: {  	_ =	shalt  }
0x69: {  	_ =	shalt  }
0x6a: {  	_ =	shalt  }
0x6b: {  	_ =	shalt  }
0x6c: {  	_ =	shalt  }
0x6d: {  	_ =	shalt  }
0x6e: {  	_ =	shalt  }
0x6f: {  	_ =	shalt  }
0x70: {  	_ =	shalt  }
0x71: {  	_ =	shalt  }
0x72: {  	_ =	shalt  }
0x73: {  	_ =	shalt  }
0x74: {  	_ =	shalt  }
0x75: {  	_ =	shalt  }
0x76: {  	_ =	shalt  }
0x77: {  	_ =	shalt  }
0x78: {  	_ =	shalt  }
0x79: {  	_ =	shalt  }
0x7a: {  	_ =	shalt  }
0x7b: {  	_ =	shalt  }
0x7c: {  	_ =	shalt  }
0x7d: {  	_ =	shalt  }
0x7e: {  	_ =	shalt  }
0x7f: {  	_ =	shalt  }
0x80: {  	_ =	shalt  }
0x81: {  	_ =	shalt  }
0x82: {  	_ =	shalt  }
0x83: {  	_ =	shalt  }
0x84: {  	_ =	shalt  }
0x85: {  	_ =	shalt  }
0x86: {  	_ =	shalt  }
0x87: {  	_ =	shalt  }
.Lfunc_end0:
.L_simem_size_0:
called_computation.1_lowered:
.L_overlay_start_0:
0x88: {  	s2 =	sld [smem:$0x3FD9]  }
0x89: {  	s3 =	sld [smem:$0x3FFE];
	_ =	sdelay $0x1  }
0x8a: {  	s1 =	srdreg.scid  }
0x8b: {  	s0 =	sand.u32 $0x1, s1  }
0x8c: {  	s17 =	sshll.u32 s0, $0xA;
	s2 =	sadd.s32 s3, s2  }
0x8d: {  	s2 =	sadd.s32 s2, s17  }
0x8e: {  	[smem:$0x3FC0] =	sst s2  }
0x8f: {  	_ = 	snop  }
0x90: {  	s2 =	sld [smem:$0x3FD0];
	(tm) =	ssettm $0x1  }
0x91: {  	s18 =	sld [smem:$0x3FFB];
	_ =	sdelay $0x3  }
0x92: {  	_ =	strace s18  }
0x93: {  	s3 =	sld [smem:$0x3FFC];
	_ =	sdelay $0x3  }
0x94: {  	_ =	strace s3  }
0x95: {  	s3 =	sld [smem:$0x3FFD];
	_ =	sdelay $0x3  }
0x96: {  	_ =	strace s3  }
0x97: {  	_ =	strace $0x8FFFFFFF  }
0x98: {  	s19 =	sld [smem:$0x3FDB];
	_ =	sdelay $0x1  }
0x99: {  	s4 =	simm.s32 $_scs_section_size  }
0x9a: {  	s5 =	simm.s32 $_size__tile_overlayer_lowered;
	s6 =	simm.s32 $_tile_overlayer_lowered  }
0x9b: {  	s22 =	simm.s32 $0x1BFF;
	s21 =	sshll.u32 s6, $0x1;
	s3 =	sadd.s32 s4, s19  }
0x9c: {  	s7 =	simm.s32 $0x0;
	s20 =	sshll.u32 s5, $0x1;
	s5 =	sadd.s32 s21, s3  }
0x9d: {  	[timem:s7], [sflag:s22] =	dma.local [hbm:s5], s20  }
0x9e: {  	_ =	swait.ge [sflag:s22], s20  }
0x9f: {  	s4 =	ssub.s32 $0x0, s20;
	[sflag:s22] =	ssyncset.done $0x0  }
0xa0: {  	[sflag:s22] =	ssyncadd.s32 s4;
	_ =	sdelay $0x1  }
0xa1: {  	s23 =	simm.s32 $0x1B8B  }
0xa2: {  	_ =	swait.ge [sflag:s23], $0x1  }
0xa3: {  	[sflag:s23] =	ssyncset.done $0x0  }
0xa4: {  	s25 =	simm.s32 $0x1B8E;
	s24 =	sld [smem:$0x3FFE];
	[sflag:s23] =	ssyncadd.s32 $0xFFFFFFFF  }
0xa5: {  	s26 =	simm.s32 $execute0_lowered;
	[smem:$0x3FD2] =	sst s25  }
0xa6: {  	s5 =	sshll.u32 s26, $0x1;
	_ =	strace $0x80000049;
	[dreg:$0x1] =	wrdreg $0xFFFFFFFF  }
0xa7: {  	s28 =	simm.s32 $_size_execute0_lowered;
	s3 =	sadd.s32 s3, s5;
	[dreg:$0x0] =	wrdreg $0x0  }
0xa8: {  	s5 =	sshll.u32 s28, $0x1;
	[dreg:$0x2] =	wrdreg s3  }
0xa9: {  	[dreg:$0x3] =	wrdreg s5  }
0xaa: {  	[dreg:$0x4] =	wrdreg $0xC0  }
0xab: {  	_ =	task [dreg:s7], $0x5FFFF  }
0xac: {  	[dreg:$0x1] =	wrdreg $0xFFFFFFFF  }
0xad: {  	[dreg:$0x0] =	wrdreg $0x60  }
0xae: {  	[dreg:$0x2] =	wrdreg s24  }
0xaf: {  	[dreg:$0x3] =	wrdreg s2  }
0xb0: {  	[dreg:$0x4] =	wrdreg $0xCD000  }
0xb1: {  	[dreg:$0x5] =	wrdreg $0x9  }
0xb2: {  	_ =	task.clear_ibuf [dreg:s7], $0x6FFFF;
	_ =	strace $0x90000049  }
0xb3: {  	s29 =	simm.s32 $0x9;
	_ =	strace $0x8000004B  }
0xb4: {  	_ =	swait.ge [sflag:s29], $0x1  }
0xb5: {  	[sflag:s29] =	ssyncadd.s32 $0xFFFFFFFF  }
0xb6: {  	_ =	strace $0x9000004B  }
0xb7: {  	_ =	sfence  }
0xb8: {  	s30 =	sld [smem:$0x0];
	_ =	sdelay $0x2  }
0xb9: {  	s31 =	sshll.u32 s1, $0xD;
	s1 =	sshrl.u32 s1, $0x2  }
0xba: {  	s3 =	sand.u32 $0x4000, s31;
	s1 =	sadd.s32 s1, s30  }
0xbb: {  	s0 =	sor.u32 s3, s0;
	s1 =	sshll.u32 s1, $0x11  }
0xbc: {  	s0 =	sor.u32 s1, s0  }
0xbd: {  	s0 =	sadd.s32 $0x8F2B, s0  }
0xbe: {  	[sflag:s0] =	ssyncadd.remote.s32 $0x1  }
0xbf: {  	_ =	sfence.sel $0xFFFF  }
0xc0: {  	[dreg:$0x0] =	wrdreg $0xFFFFFFFF;
	(pc) =	sbr.abs _section_cstart, $3  }
0xc1: {  	[dreg:$0x1] =	wrdreg $0xFFFFFFFF  }
0xc2: {  	_ =	task.clear_ibuf [dreg:s7], $0x2FFFF;
	_ =	strace $0x9FFFFFFF  }
0xc3: {  	(tm) =	ssettm $0x7FFFFFFF  }
tec
execute0_lowered:
.L_overlay_start_1:
0x0: {  	(tag) =	ssettag $0x1  }
0x1: {  	s0 =	rddreg [dreg:$0x0]  }
0x2: {  	s3 =	rddreg [dreg:$0x2];
	s1 =	srdreg.scid  }
0x3: {  	s7 =	stileid.u32;
	s4 =	simm.s32 $0x0;
	s12 =	simm.s32 $0x2800  }
0x4: {  	s14 =	simm.s32 $0x1;
	s15 =	simm.s32 $0x2;
	s16 =	simm.s32 $0x3  }
0x5: {  	s17 =	simm.s32 $0x7D;
	s18 =	simm.s32 $0x5000;
	s20 =	simm.s32 $0x6F40  }
0x6: {  	s22 =	simm.s32 $0x8E80;
	s25 =	simm.s32 $0xADC0;
	s28 =	simm.s32 $0x5  }
0x7: {  	s30 =	simm.s32 $0x4;
	s19 =	simm.s32 $0x8;
	s21 =	simm.s32 $0x9  }
0x8: {  	s23 =	simm.s32 $0x0;
	s1 =	sand.u32 $0x1, s1;
	s2 =	sshll.u32 s7, $0x1  }
0x9: {  	s9 =	smul.u32 $0xA000, s7;
	[smem:$0x7FF] =	sst s4;
	s5 =	sadd.s32 $0x16200, s0  }
0xa: {  	s7 =	sshll.u32 s7, $0x6;
	s2 =	sor.u32 s1, s2;
	s6 =	smul.u32 $0xA0000, s1  }
0xb: {  	_ =	strace $0x8000004A;
	s1 =	ssub.s32 $0x2, s1;
	s2 =	smul.u32 $0x2800, s2  }
0xc: {  	s29 =	sshrl.u32 s1, $0x1;
	s31 =	sadd.s32 s9, s3;
	s6 =	sadd.s32 s9, s6  }
.Ltmp0:
0xd: {  	s1 =	ssub.s32 s1, s29;
	s9 =	sor.u32 $0x1C03, s7;
	(pc) =	sbr.rel .LBB2_1-.Ltmp0, $4  }
0xe: {  	s13 =	sshrl.u32 s31, $0x3;
	s2 =	sshrl.u32 s2, $0x3;
	s6 =	sshrl.u32 s6, $0x3  }
0xf: {  	s11 =	smax.u32 s1, $0x1;
	s1 =	simm.s32 $0x280;
	s2 =	sadd.s32 s2, s0  }
0x10: {  	s0 =	sadd.s32 s6, s0;
	s6 =	sadd.s32 $0x2200, s2;
	s8 =	sadd.s32 $0xC200, s2  }
0x11: {  	s10 =	sadd.s32 $0x29C00, s0;
	s0 =	simm.s32 $0x6;
	s2 =	simm.s32 $0x7  }
.LBB2_4:
0x12: {  	_ =	swait.ge [sflag:s30], $0x1F40  }
0x13: {  	[sflag:s30] =	ssyncset.done $0x0  }
0x14: {  	[sflag:s30] =	ssyncadd.s32 $0xFFFFE0C0  }
0x15: {  	[spmem:s3] =	stream.indirect.scatter.add.f32 [tilespmem:s25], [sflag:$0x8], $0x40, s29, s17, $0xb8;
	[tilespmem:$0x16D00] =	vst v63  }
0x16: {  	_ =	swait.ge [sflag:s28], $0x1F40  }
0x17: {  	[sflag:s28] =	ssyncset.done $0x0  }
0x18: {  	[sflag:s28] =	ssyncadd.s32 $0xFFFFE0C0  }
0x19: {  	_ =	swait.ge [sflag:s0], $0x1F40  }
0x1a: {  	[sflag:s0] =	ssyncset.done $0x0  }
0x1b: {  	[sflag:s0] =	ssyncadd.s32 $0xFFFFE0C0  }
0x1c: {  	_ =	swait.ge [sflag:s2], $0x1F40  }
0x1d: {  	[sflag:s2] =	ssyncset.done $0x0  }
0x1e: {  	[sflag:s2] =	ssyncadd.s32 $0xFFFFE0C0  }
0x1f: {  	_ =	swait.ge [sflag:s19], $0x1F40  }
0x20: {  	s23 =	sadd.s32 $0x1, s23;
	[sflag:s19] =	ssyncset.done $0x0  }
0x21: {  	p0 =	sne.s32 s23, s11;
	[sflag:s19] =	ssyncadd.s32 $0xFFFFE0C0  }
.Ltmp1:
0x22: {  	s24 =	sor.u32 $0x1C09, s7;
	[bflag:$0x0] =	sbarrier.arrive $0xFFFF;
	(pc) =	sbr.rel @!p0 .LBB2_5-.Ltmp1, $4  }
0x23: {  	[hbm:s10], [sflag:s24] =	dma.local [spmem:s13], $0x1400  }
0x24: {  	_ =	swait.ge [sflag:s21], $0x1400  }
0x25: {  	[sflag:s21] =	ssyncset.done $0x0  }
0x26: {  	[sflag:s21] =	ssyncadd.s32 $0xFFFFEC00  }
.LBB2_1:
0x27: {  	[tilespmem:s4], [sflag:$0x1] =	stream.linear.gather [hbm4b:s6+s4], $0x2800, $0x38;
	[tilespmem:$0x16D00] =	vst v63  }
0x28: {  	s24 =	rddreg [dreg:$0x1]  }
0x29: {  	[tilespmem:s12], [sflag:$0x2] =	stream.linear.gather [hbm4b:s8+s4], $0x2800, $0x38;
	[tilespmem:$0x16D00] =	vst v63  }
0x2a: {  	[spmem:s13], [sflag:s9] =	dma.local [hbm:s24], $0x1400  }
0x2b: {  	_ =	swait.ge [sflag:s14], $0x2800  }
0x2c: {  	[sflag:s14] =	ssyncset.done $0x0  }
0x2d: {  	[sflag:s14] =	ssyncadd.s32 $0xFFFFD800  }
0x2e: {  	_ =	swait.ge [sflag:s15], $0x2800  }
0x2f: {  	[sflag:s15] =	ssyncset.done $0x0  }
0x30: {  	[sflag:s15] =	ssyncadd.s32 $0xFFFFD800  }
0x31: {  	_ =	swait.ge [sflag:s16], $0x1400  }
0x32: {  	[sflag:s16] =	ssyncset.done $0x0  }
0x33: {  	[sflag:s16] =	ssyncadd.s32 $0xFFFFEC00  }
0x34: {  	[bflag:$0x0] =	sbarrier.arrive $0xFFFF  }
0x35: {  	[tilespmem:s18], [sflag:$0x1] =	stream.indirect.gather [hbm4b:s5+s17], $0x40, s4, s17, $0xb8;
	[tilespmem:$0x16D00] =	vst v63  }
0x36: {  	s31 =	simm.s32 $0x80  }
0x37: {  	[tilespmem:s20], [sflag:$0x2] =	stream.indirect.gather [hbm4b:s5+s17], $0x40, s31, s17, $0xb8;
	[tilespmem:$0x16D00] =	vst v63  }
0x38: {  	_ =	swait.ge [sflag:s14], $0x1F40  }
0x39: {  	[sflag:s14] =	ssyncset.done $0x0  }
0x3a: {  	[sflag:s14] =	ssyncadd.s32 $0xFFFFE0C0  }
0x3b: {  	[spmem:s3] =	stream.indirect.scatter.add.f32 [tilespmem:s18], [sflag:$0x5], $0x40, s12, s17, $0xb8;
	[tilespmem:$0x16D00] =	vst v63  }
0x3c: {  	s26 =	simm.s32 $0x100  }
0x3d: {  	[tilespmem:s22], [sflag:$0x3] =	stream.indirect.gather [hbm4b:s5+s17], $0x40, s26, s17, $0xb8;
	[tilespmem:$0x16D00] =	vst v63  }
0x3e: {  	_ =	swait.ge [sflag:s15], $0x1F40  }
0x3f: {  	[sflag:s15] =	ssyncset.done $0x0  }
0x40: {  	s29 =	simm.s32 $0x2880;
	[sflag:s15] =	ssyncadd.s32 $0xFFFFE0C0  }
0x41: {  	[spmem:s3] =	stream.indirect.scatter.add.f32 [tilespmem:s20], [sflag:$0x6], $0x40, s29, s17, $0xb8;
	[tilespmem:$0x16D00] =	vst v63  }
0x42: {  	s31 =	simm.s32 $0x180  }
0x43: {  	[tilespmem:s25], [sflag:$0x4] =	stream.indirect.gather [hbm4b:s5+s17], $0x40, s31, s17, $0xb8;
	[tilespmem:$0x16D00] =	vst v63  }
0x44: {  	_ =	swait.ge [sflag:s16], $0x1F40  }
0x45: {  	[sflag:s16] =	ssyncset.done $0x0  }
0x46: {  	s26 =	simm.s32 $0x2900;
	[sflag:s16] =	ssyncadd.s32 $0xFFFFE0C0  }
0x47: {  	[spmem:s3] =	stream.indirect.scatter.add.f32 [tilespmem:s22], [sflag:$0x7], $0x40, s26, s17, $0xb8;
	[tilespmem:$0x16D00] =	vst v63  }
0x48: {  	_ =	swait.ge [sflag:s28], $0x1F40  }
0x49: {  	[sflag:s28] =	ssyncset.done $0x0  }
0x4a: {  	s29 =	simm.s32 $0x200;
	[sflag:s28] =	ssyncadd.s32 $0xFFFFE0C0  }
0x4b: {  	[tilespmem:s18], [sflag:$0x1] =	stream.indirect.gather [hbm4b:s5+s17], $0x40, s29, s17, $0xb8;
	[tilespmem:$0x16D00] =	vst v63  }
0x4c: {  	_ =	swait.ge [sflag:s30], $0x1F40  }
0x4d: {  	[sflag:s30] =	ssyncset.done $0x0  }
0x4e: {  	s31 =	simm.s32 $0x2980;
	[sflag:s30] =	ssyncadd.s32 $0xFFFFE0C0  }
0x4f: {  	[spmem:s3] =	stream.indirect.scatter.add.f32 [tilespmem:s25], [sflag:$0x8], $0x40, s31, s17, $0xb8;
	[tilespmem:$0x16D00] =	vst v63  }
0x50: {  	_ =	swait.ge [sflag:s0], $0x1F40  }
0x51: {  	[sflag:s0] =	ssyncset.done $0x0  }
0x52: {  	s24 =	simm.s32 $0x0;
	[sflag:s0] =	ssyncadd.s32 $0xFFFFE0C0  }
0x53: {  	[tilespmem:s20], [sflag:$0x2] =	stream.indirect.gather [hbm4b:s5+s17], $0x40, s1, s17, $0xb8;
	[tilespmem:$0x16D00] =	vst v63  }
.LBB2_2:
0x54: {  	_ =	swait.ge [sflag:s14], $0x1F40  }
0x55: {  	s26 =	sshra.s32 s24, $0x2;
	[sflag:s14] =	ssyncset.done $0x0  }
0x56: {  	s29 =	sadd.s32 $0x2A00, s26;
	[sflag:s14] =	ssyncadd.s32 $0xFFFFE0C0  }
0x57: {  	[spmem:s3] =	stream.indirect.scatter.add.f32 [tilespmem:s18], [sflag:$0x5], $0x40, s29, s17, $0xb8;
	[tilespmem:$0x16D00] =	vst v63  }
0x58: {  	_ =	swait.ge [sflag:s2], $0x1F40  }
0x59: {  	[sflag:s2] =	ssyncset.done $0x0  }
0x5a: {  	s29 =	sadd.s32 $0x300, s26;
	[sflag:s2] =	ssyncadd.s32 $0xFFFFE0C0  }
0x5b: {  	[tilespmem:s22], [sflag:$0x3] =	stream.indirect.gather [hbm4b:s5+s17], $0x40, s29, s17, $0xb8;
	[tilespmem:$0x16D00] =	vst v63  }
0x5c: {  	_ =	swait.ge [sflag:s15], $0x1F40  }
0x5d: {  	[sflag:s15] =	ssyncset.done $0x0  }
0x5e: {  	s29 =	sadd.s32 $0x2A80, s26;
	[sflag:s15] =	ssyncadd.s32 $0xFFFFE0C0  }
0x5f: {  	[spmem:s3] =	stream.indirect.scatter.add.f32 [tilespmem:s20], [sflag:$0x6], $0x40, s29, s17, $0xb8;
	[tilespmem:$0x16D00] =	vst v63  }
0x60: {  	_ =	swait.ge [sflag:s19], $0x1F40  }
0x61: {  	[sflag:s19] =	ssyncset.done $0x0  }
0x62: {  	p0 =	seq.s32 s24, $0x9000;
	s29 =	sadd.s32 $0x380, s26;
	[sflag:s19] =	ssyncadd.s32 $0xFFFFE0C0  }
0x63: {  	[tilespmem:s25], [sflag:$0x4] =	stream.indirect.gather [hbm4b:s5+s17], $0x40, s29, s17, $0xb8;
	[tilespmem:$0x16D00] =	vst v63  }
.Ltmp2:
0x64: {  	_ =	swait.ge [sflag:s16], $0x1F40;
	(pc) =	sbr.rel @p0 .LBB2_4-.Ltmp2, $4  }
0x65: {  	[sflag:s16] =	ssyncset.done $0x0  }
0x66: {  	s29 =	sadd.s32 $0x2B00, s26;
	[sflag:s16] =	ssyncadd.s32 $0xFFFFE0C0  }
0x67: {  	[spmem:s3] =	stream.indirect.scatter.add.f32 [tilespmem:s22], [sflag:$0x7], $0x40, s29, s17, $0xb8;
	[tilespmem:$0x16D00] =	vst v63  }
0x68: {  	s29 =	sadd.s32 $0x2B80, s26  }
0x69: {  	_ =	swait.ge [sflag:s28], $0x1F40  }
0x6a: {  	[sflag:s28] =	ssyncset.done $0x0  }
0x6b: {  	s31 =	sadd.s32 $0x400, s26;
	[sflag:s28] =	ssyncadd.s32 $0xFFFFE0C0  }
0x6c: {  	[tilespmem:s18], [sflag:$0x1] =	stream.indirect.gather [hbm4b:s5+s17], $0x40, s31, s17, $0xb8;
	[tilespmem:$0x16D00] =	vst v63  }
0x6d: {  	_ =	swait.ge [sflag:s30], $0x1F40  }
0x6e: {  	[sflag:s30] =	ssyncset.done $0x0  }
0x6f: {  	[sflag:s30] =	ssyncadd.s32 $0xFFFFE0C0  }
0x70: {  	[spmem:s3] =	stream.indirect.scatter.add.f32 [tilespmem:s25], [sflag:$0x8], $0x40, s29, s17, $0xb8;
	[tilespmem:$0x16D00] =	vst v63  }
.Ltmp3:
0x71: {  	_ = 	snop;
	(pc) =	sbr.rel .LBB2_2-.Ltmp3, $4  }
0x72: {  	_ =	swait.ge [sflag:s0], $0x1F40  }
0x73: {  	[sflag:s0] =	ssyncset.done $0x0  }
0x74: {  	s24 =	sadd.s32 $0x800, s24;
	s31 =	sadd.s32 $0x480, s26;
	[sflag:s0] =	ssyncadd.s32 $0xFFFFE0C0  }
0x75: {  	[tilespmem:s20], [sflag:$0x2] =	stream.indirect.gather [hbm4b:s5+s17], $0x40, s31, s17, $0xb8;
	[tilespmem:$0x16D00] =	vst v63  }
.LBB2_5:
0x76: {  	_ =	sfence.sel $0x180000  }
0x77: {  	[bflag:$0x0] =	sbarrier.arrive $0xFFFF  }
0x78: {  	_ =	strace $0x9000004A  }
0x79: {  	s0 =	stileid.u32;
	[bflag:$0x2] =	sbarrier.arrive $0xFFFF  }
0x7a: {  	p0 =	sne.s32 s0, $0x0;
	s0 =	rddreg [dreg:$0x3]  }
0x7b: {  	s0 =	sadd.s32 @!p0 $0x100000, s0  }
0x7c: {  	[sflag:s0] =	ssyncadd.tile.s32 @!p0 $0x1;
	_ =	shalt  }
.Lfunc_end2:
_tile_overlayer_lowered:
.L_overlay_start_2:
0x7d: {  	(tag) =	ssettag $0x2  }
0x7e: {  	s0 =	rddreg [dreg:$0x0];
	s2 =	stileid.u32  }
0x7f: {  	s1 =	rddreg [dreg:$0x1];
	p0 =	sne.s32 s2, $0x0  }
0x80: {  	s3 =	rddreg [dreg:$0x2];
	[bflag:$0x3] =	sbarrier.arrive $0xFFFF;
	s2 =	simm.s32 @!p0 $0x1C09  }
0x81: {  	[timem:s3], [sflag:s2] =	dma.local @!p0 [hbm:s0], s1  }
0x82: {  	s0 =	simm.s32 @!p0 $0x9  }
0x83: {  	_ =	swait.ge @!p0 [sflag:s0], s1  }
0x84: {  	s1 =	ssub.s32 @!p0 $0x0, s1;
	[sflag:s0] =	ssyncset.done @!p0 $0x0  }
0x85: {  	[sflag:s0] =	ssyncadd.s32 @!p0 s1  }
0x86: {  	[bflag:$0x3] =	sbarrier.arrive $0xFFFF  }
0x87: {  	_ =	shalt  }

// kernel: kernel.15.cloned.1.call-start
scs
__scs_entry_jumppad:
0x0: {  	(pc) =	sbr.rel $0x88, $3  }
0x1: {  	(tag) =	ssettag $0x0;
	lr =	simm.s32 $0x1  }
0x2: {  	[smem:$0x3F99] =	sst lr;
	_ =	strace $0xD0000000  }
0x3: {  	_ = 	snop  }
0x4: {  	_ = 	snop  }
0x5: {  	_ = 	snop  }
0x6: {  	_ = 	snop  }
0x7: {  	_ = 	snop  }
__scs_overlays_trampoline_lowered:
0x8: {  	[smem:$0x3FA8] =	sst s0  }
0x9: {  	[smem:$0x3FA9] =	sst s1  }
0xa: {  	[smem:$0x3FAA] =	sst s2  }
0xb: {  	[smem:$0x3FAB] =	sst s3  }
0xc: {  	[smem:$0x3FAC] =	sst s4  }
0xd: {  	[smem:$0x3FAD] =	sst s5  }
0xe: {  	[smem:$0x3FAE] =	sst s6  }
0xf: {  	[smem:$0x3FAF] =	sst s7  }
0x10: {  	[smem:$0x3FB0] =	sst s8  }
0x11: {  	[smem:$0x3FB1] =	sst s9;
	s0 =	simm.s32 @!p0 $0x0  }
0x12: {  	s1 =	sld [smem:$0x3F97];
	s0 =	simm.s32 @p0 $0x1  }
0x13: {  	[smem:$0x3FB2] =	sst s0;
	s0 =	simm.s32 @!p1 $0x0  }
0x14: {  	s2 =	sld [smem:$0x3F96];
	s0 =	simm.s32 @p1 $0x1  }
0x15: {  	[smem:$0x3FB3] =	sst s0;
	s0 =	simm.s32 @!p2 $0x0  }
0x16: {  	s3 =	sld [smem:$0x3FDB];
	s0 =	simm.s32 @p2 $0x1  }
0x17: {  	s4 =	simm.s32 $0x1BF5;
	[smem:$0x3FB5] =	sst s0  }
0x18: {  	s0 =	sld [smem:$0x3F98];
	_ =	swait.ge [sflag:s4], $0x0  }
0x19: {  	s7 =	sld [smem:$0x3F99]  }
0x1a: {  	s8 =	sadd.s32 $0xFFFFE003, lr  }
0x1b: {  	s9 =	sadd.s32 $0xFFFFFEF7, lr;
	s5 =	simm.s32 $0xFFFFFFFF;
	p2 =	slt.u32 s8, $0xFFFFF086  }
0x1c: {  	p1 =	slt.u32 s9, $0xF7A;
	s5 =	simm.s32 @!p2 $0x0  }
0x1d: {  	s5 =	simm.s32 @p1 $0x1;
	p0 =	seq.s32 s7, s2  }
0x1e: {  	s7 =	smul.u32 @!p0 $0xF7A, s2;
	p2 =	seq.s32 @!p0 s5, $0x0  }
0x1f: {  	s9 =	smul.u32 $0xF7A, s1;
	s8 =	simm.s32 @!p0 $0x1BF5;
	p2 =	por !p2, p0  }
0x20: {  	[sflag:s8] =	ssyncset.s32 @!p0 $0xFFFFF086;
	s6 =	sadd.s32 @!p0 s3, s7;
	s7 =	simm.s32 @!p0 $0x108  }
0x21: {  	s3 =	sadd.s32 s3, s9;
	s6 =	sadd.s32 @!p0 $0x88, s6;
	s7 =	simm.s32 @p2 $0x1082  }
0x22: {  	[simem:s7], [sflag:s8] =	dma.local @!p0 [hbm:s6], $0xF7A  }
0x23: {  	s9 =	sor.u32 $0xD0000000, s2;
	s6 =	simm.s32 $0x108;
	_ =	swait.ge @!p0 [sflag:s8], $0x0  }
0x24: {  	s3 =	sadd.s32 $0x88, s3;
	s6 =	simm.s32 @!p1 $0x1082;
	[sflag:s4] =	ssyncset.s32 $0xFFFFF086  }
0x25: {  	[simem:s6], [sflag:s4] =	dma.local [hbm:s3], $0xF7A  }
0x26: {  	[smem:$0x3F99] =	sst s1;
	(tag) =	ssettag s2;
	_ =	strace s9  }
0x27: {  	s1 =	sld [smem:$0x3FA9]  }
0x28: {  	s2 =	sld [smem:$0x3FAA]  }
0x29: {  	s4 =	sld [smem:$0x3FAC]  }
0x2a: {  	p0 =	seq.s32 s5, $0x0;
	s5 =	sld [smem:$0x3FAD]  }
0x2b: {  	s6 =	sld [smem:$0x3FAE]  }
0x2c: {  	s7 =	sld [smem:$0x3FAF]  }
0x2d: {  	s3 =	simm.s32 $0x108;
	s8 =	sld [smem:$0x3FB0]  }
0x2e: {  	s3 =	simm.s32 @!p0 $0x1082;
	s9 =	sld [smem:$0x3FB1]  }
0x2f: {  	lr =	sadd.s32 s0, s3;
	s0 =	sld [smem:$0x3FA8]  }
0x30: {  	s3 =	sld [smem:$0x3FAB]  }
0x31: {  	[smem:$0x3FB4] =	sst s10  }
0x32: {  	s10 =	sld [smem:$0x3FB2];
	_ =	sdelay $0x3  }
0x33: {  	p0 =	seq.s32 s10, $0x1;
	s10 =	sld [smem:$0x3FB4];
	_ =	sdelay $0x3  }
0x34: {  	[smem:$0x3FB4] =	sst s10  }
0x35: {  	s10 =	sld [smem:$0x3FB3];
	_ =	sdelay $0x3  }
0x36: {  	p1 =	seq.s32 s10, $0x1;
	s10 =	sld [smem:$0x3FB4];
	_ =	sdelay $0x3  }
0x37: {  	[smem:$0x3FB4] =	sst s10  }
0x38: {  	s10 =	sld [smem:$0x3FB5]  }
0x39: {  	_ = 	snop;
	(pc) =	sbr.ind lr, $3  }
0x3a: {  	_ = 	snop  }
0x3b: {  	_ = 	snop  }
0x3c: {  	p2 =	seq.s32 s10, $0x1;
	s10 =	sld [smem:$0x3FB4]  }
0x3d: {  	_ =	shalt  }
0x3e: {  	_ =	shalt  }
0x3f: {  	_ =	shalt  }
0x40: {  	_ =	shalt  }
0x41: {  	_ =	shalt  }
0x42: {  	_ =	shalt  }
0x43: {  	_ =	shalt  }
0x44: {  	_ =	shalt  }
0x45: {  	_ =	shalt  }
0x46: {  	_ =	shalt  }
0x47: {  	_ =	shalt  }
0x48: {  	_ =	shalt  }
0x49: {  	_ =	shalt  }
0x4a: {  	_ =	shalt  }
0x4b: {  	_ =	shalt  }
0x4c: {  	_ =	shalt  }
0x4d: {  	_ =	shalt  }
0x4e: {  	_ =	shalt  }
0x4f: {  	_ =	shalt  }
0x50: {  	_ =	shalt  }
0x51: {  	_ =	shalt  }
0x52: {  	_ =	shalt  }
0x53: {  	_ =	shalt  }
0x54: {  	_ =	shalt  }
0x55: {  	_ =	shalt  }
0x56: {  	_ =	shalt  }
0x57: {  	_ =	shalt  }
0x58: {  	_ =	shalt  }
0x59: {  	_ =	shalt  }
0x5a: {  	_ =	shalt  }
0x5b: {  	_ =	shalt  }
0x5c: {  	_ =	shalt  }
0x5d: {  	_ =	shalt  }
0x5e: {  	_ =	shalt  }
0x5f: {  	_ =	shalt  }
0x60: {  	_ =	shalt  }
0x61: {  	_ =	shalt  }
0x62: {  	_ =	shalt  }
0x63: {  	_ =	shalt  }
0x64: {  	_ =	shalt  }
0x65: {  	_ =	shalt  }
0x66: {  	_ =	shalt  }
0x67: {  	_ =	shalt  }
0x68: {  	_ =	shalt  }
0x69: {  	_ =	shalt  }
0x6a: {  	_ =	shalt  }
0x6b: {  	_ =	shalt  }
0x6c: {  	_ =	shalt  }
0x6d: {  	_ =	shalt  }
0x6e: {  	_ =	shalt  }
0x6f: {  	_ =	shalt  }
0x70: {  	_ =	shalt  }
0x71: {  	_ =	shalt  }
0x72: {  	_ =	shalt  }
0x73: {  	_ =	shalt  }
0x74: {  	_ =	shalt  }
0x75: {  	_ =	shalt  }
0x76: {  	_ =	shalt  }
0x77: {  	_ =	shalt  }
0x78: {  	_ =	shalt  }
0x79: {  	_ =	shalt  }
0x7a: {  	_ =	shalt  }
0x7b: {  	_ =	shalt  }
0x7c: {  	_ =	shalt  }
0x7d: {  	_ =	shalt  }
0x7e: {  	_ =	shalt  }
0x7f: {  	_ =	shalt  }
0x80: {  	_ =	shalt  }
0x81: {  	_ =	shalt  }
0x82: {  	_ =	shalt  }
0x83: {  	_ =	shalt  }
0x84: {  	_ =	shalt  }
0x85: {  	_ =	shalt  }
0x86: {  	_ =	shalt  }
0x87: {  	_ =	shalt  }
.Lfunc_end0:
.L_simem_size_0:
called_computation.2_lowered:
.L_overlay_start_0:
0x88: {  	s2 =	sld [smem:$0x3FD9]  }
0x89: {  	s3 =	sld [smem:$0x3FFE];
	_ =	sdelay $0x1  }
0x8a: {  	s1 =	srdreg.scid  }
0x8b: {  	s0 =	sand.u32 $0x1, s1  }
0x8c: {  	s17 =	sshll.u32 s0, $0xA;
	s2 =	sadd.s32 s3, s2  }
0x8d: {  	s2 =	sadd.s32 s2, s17  }
0x8e: {  	[smem:$0x3FC0] =	sst s2  }
0x8f: {  	_ = 	snop  }
0x90: {  	s2 =	sld [smem:$0x3FD0];
	(tm) =	ssettm $0x1  }
0x91: {  	s18 =	sld [smem:$0x3FFB];
	_ =	sdelay $0x3  }
0x92: {  	_ =	strace s18  }
0x93: {  	s3 =	sld [smem:$0x3FFC];
	_ =	sdelay $0x3  }
0x94: {  	_ =	strace s3  }
0x95: {  	s3 =	sld [smem:$0x3FFD];
	_ =	sdelay $0x3  }
0x96: {  	_ =	strace s3  }
0x97: {  	_ =	strace $0x8FFFFFFF  }
0x98: {  	s19 =	sld [smem:$0x3FDB];
	_ =	sdelay $0x1  }
0x99: {  	s4 =	simm.s32 $_scs_section_size  }
0x9a: {  	s5 =	simm.s32 $_size__tile_overlayer_lowered;
	s6 =	simm.s32 $_tile_overlayer_lowered  }
0x9b: {  	s22 =	simm.s32 $0x1BFF;
	s21 =	sshll.u32 s6, $0x1;
	s3 =	sadd.s32 s4, s19  }
0x9c: {  	s7 =	simm.s32 $0x0;
	s20 =	sshll.u32 s5, $0x1;
	s5 =	sadd.s32 s21, s3  }
0x9d: {  	[timem:s7], [sflag:s22] =	dma.local [hbm:s5], s20  }
0x9e: {  	_ =	swait.ge [sflag:s22], s20  }
0x9f: {  	s4 =	ssub.s32 $0x0, s20;
	[sflag:s22] =	ssyncset.done $0x0  }
0xa0: {  	[sflag:s22] =	ssyncadd.s32 s4;
	_ =	sdelay $0x1  }
0xa1: {  	s23 =	simm.s32 $0x1B8B  }
0xa2: {  	_ =	swait.ge [sflag:s23], $0x1  }
0xa3: {  	[sflag:s23] =	ssyncset.done $0x0  }
0xa4: {  	s25 =	simm.s32 $0x1B8E;
	s24 =	sld [smem:$0x3FFE];
	[sflag:s23] =	ssyncadd.s32 $0xFFFFFFFF  }
0xa5: {  	s26 =	simm.s32 $execute0_lowered;
	[smem:$0x3FD2] =	sst s25  }
0xa6: {  	s5 =	sshll.u32 s26, $0x1;
	_ =	strace $0x8000004C;
	[dreg:$0x1] =	wrdreg $0xFFFFFFFF  }
0xa7: {  	s28 =	simm.s32 $_size_execute0_lowered;
	s3 =	sadd.s32 s3, s5;
	[dreg:$0x0] =	wrdreg $0x0  }
0xa8: {  	s5 =	sshll.u32 s28, $0x1;
	[dreg:$0x2] =	wrdreg s3  }
0xa9: {  	[dreg:$0x3] =	wrdreg s5  }
0xaa: {  	[dreg:$0x4] =	wrdreg $0xC0  }
0xab: {  	_ =	task [dreg:s7], $0x5FFFF  }
0xac: {  	[dreg:$0x1] =	wrdreg $0xFFFFFFFF  }
0xad: {  	[dreg:$0x0] =	wrdreg $0x60  }
0xae: {  	[dreg:$0x2] =	wrdreg s24  }
0xaf: {  	[dreg:$0x3] =	wrdreg s2  }
0xb0: {  	[dreg:$0x4] =	wrdreg $0xADC00  }
0xb1: {  	[dreg:$0x5] =	wrdreg $0x9  }
0xb2: {  	_ =	task.clear_ibuf [dreg:s7], $0x6FFFF;
	_ =	strace $0x9000004C  }
0xb3: {  	s29 =	simm.s32 $0x9;
	_ =	strace $0x8000004E  }
0xb4: {  	_ =	swait.ge [sflag:s29], $0x1  }
0xb5: {  	[sflag:s29] =	ssyncadd.s32 $0xFFFFFFFF  }
0xb6: {  	_ =	strace $0x9000004E  }
0xb7: {  	_ =	sfence  }
0xb8: {  	s30 =	sld [smem:$0x0];
	_ =	sdelay $0x2  }
0xb9: {  	s31 =	sshll.u32 s1, $0xD;
	s1 =	sshrl.u32 s1, $0x2  }
0xba: {  	s3 =	sand.u32 $0x4000, s31;
	s1 =	sadd.s32 s1, s30  }
0xbb: {  	s0 =	sor.u32 s3, s0;
	s1 =	sshll.u32 s1, $0x11  }
0xbc: {  	s0 =	sor.u32 s1, s0  }
0xbd: {  	s0 =	sadd.s32 $0x8F2B, s0  }
0xbe: {  	[sflag:s0] =	ssyncadd.remote.s32 $0x1  }
0xbf: {  	_ =	sfence.sel $0xFFFF  }
0xc0: {  	[dreg:$0x0] =	wrdreg $0xFFFFFFFF;
	(pc) =	sbr.abs _section_cstart, $3  }
0xc1: {  	[dreg:$0x1] =	wrdreg $0xFFFFFFFF  }
0xc2: {  	_ =	task.clear_ibuf [dreg:s7], $0x2FFFF;
	_ =	strace $0x9FFFFFFF  }
0xc3: {  	(tm) =	ssettm $0x7FFFFFFF  }
tec
execute0_lowered:
.L_overlay_start_1:
0x0: {  	(tag) =	ssettag $0x1  }
0x1: {  	s0 =	rddreg [dreg:$0x0]  }
0x2: {  	s3 =	rddreg [dreg:$0x2];
	s1 =	srdreg.scid  }
0x3: {  	s7 =	stileid.u32;
	s4 =	simm.s32 $0x0;
	s12 =	simm.s32 $0x2800  }
0x4: {  	s14 =	simm.s32 $0x1;
	s15 =	simm.s32 $0x2;
	s16 =	simm.s32 $0x3  }
0x5: {  	s17 =	simm.s32 $0x7D;
	s18 =	simm.s32 $0x5000;
	s20 =	simm.s32 $0x6770  }
0x6: {  	s22 =	simm.s32 $0x7EE0;
	s25 =	simm.s32 $0x9650;
	s28 =	simm.s32 $0x5  }
0x7: {  	s30 =	simm.s32 $0x4;
	s19 =	simm.s32 $0x8;
	s21 =	simm.s32 $0x9  }
0x8: {  	s23 =	simm.s32 $0x0;
	s1 =	sand.u32 $0x1, s1;
	s2 =	sshll.u32 s7, $0x1  }
0x9: {  	s9 =	smul.u32 $0x7800, s7;
	[smem:$0x7FF] =	sst s4;
	s5 =	sadd.s32 $0x16200, s0  }
0xa: {  	s7 =	sshll.u32 s7, $0x6;
	s2 =	sor.u32 s1, s2;
	s6 =	smul.u32 $0x78000, s1  }
0xb: {  	_ =	strace $0x8000004D;
	s1 =	ssub.s32 $0x2, s1;
	s2 =	smul.u32 $0x2800, s2  }
0xc: {  	s29 =	sshrl.u32 s1, $0x1;
	s31 =	sadd.s32 s9, s3;
	s6 =	sadd.s32 s9, s6  }
.Ltmp0:
0xd: {  	s1 =	ssub.s32 s1, s29;
	s9 =	sor.u32 $0x1C03, s7;
	(pc) =	sbr.rel .LBB2_1-.Ltmp0, $4  }
0xe: {  	s13 =	sshrl.u32 s31, $0x3;
	s2 =	sshrl.u32 s2, $0x3;
	s6 =	sshrl.u32 s6, $0x3  }
0xf: {  	s11 =	smax.u32 s1, $0x1;
	s1 =	simm.s32 $0x280;
	s2 =	sadd.s32 s2, s0  }
0x10: {  	s0 =	sadd.s32 s6, s0;
	s6 =	sadd.s32 $0x2200, s2;
	s8 =	sadd.s32 $0xC200, s2  }
0x11: {  	s10 =	sadd.s32 $0x24E00, s0;
	s0 =	simm.s32 $0x6;
	s2 =	simm.s32 $0x7  }
.LBB2_4:
0x12: {  	_ =	swait.ge [sflag:s30], $0x1770  }
0x13: {  	[sflag:s30] =	ssyncset.done $0x0  }
0x14: {  	[sflag:s30] =	ssyncadd.s32 $0xFFFFE890  }
0x15: {  	[spmem:s3] =	stream.indirect.scatter.add.f32 [tilespmem:s25], [sflag:$0x8], $0x30, s29, s17, $0xb8;
	[tilespmem:$0x125C0] =	vst v63  }
0x16: {  	_ =	swait.ge [sflag:s28], $0x1770  }
0x17: {  	[sflag:s28] =	ssyncset.done $0x0  }
0x18: {  	[sflag:s28] =	ssyncadd.s32 $0xFFFFE890  }
0x19: {  	_ =	swait.ge [sflag:s0], $0x1770  }
0x1a: {  	[sflag:s0] =	ssyncset.done $0x0  }
0x1b: {  	[sflag:s0] =	ssyncadd.s32 $0xFFFFE890  }
0x1c: {  	_ =	swait.ge [sflag:s2], $0x1770  }
0x1d: {  	[sflag:s2] =	ssyncset.done $0x0  }
0x1e: {  	[sflag:s2] =	ssyncadd.s32 $0xFFFFE890  }
0x1f: {  	_ =	swait.ge [sflag:s19], $0x1770  }
0x20: {  	s23 =	sadd.s32 $0x1, s23;
	[sflag:s19] =	ssyncset.done $0x0  }
0x21: {  	p0 =	sne.s32 s23, s11;
	[sflag:s19] =	ssyncadd.s32 $0xFFFFE890  }
.Ltmp1:
0x22: {  	s24 =	sor.u32 $0x1C09, s7;
	[bflag:$0x0] =	sbarrier.arrive $0xFFFF;
	(pc) =	sbr.rel @!p0 .LBB2_5-.Ltmp1, $4  }
0x23: {  	[hbm:s10], [sflag:s24] =	dma.local [spmem:s13], $0xF00  }
0x24: {  	_ =	swait.ge [sflag:s21], $0xF00  }
0x25: {  	[sflag:s21] =	ssyncset.done $0x0  }
0x26: {  	[sflag:s21] =	ssyncadd.s32 $0xFFFFF100  }
.LBB2_1:
0x27: {  	[tilespmem:s4], [sflag:$0x1] =	stream.linear.gather [hbm4b:s6+s4], $0x2800, $0x38;
	[tilespmem:$0x125C0] =	vst v63  }
0x28: {  	s24 =	rddreg [dreg:$0x1]  }
0x29: {  	[tilespmem:s12], [sflag:$0x2] =	stream.linear.gather [hbm4b:s8+s4], $0x2800, $0x38;
	[tilespmem:$0x125C0] =	vst v63  }
0x2a: {  	[spmem:s13], [sflag:s9] =	dma.local [hbm:s24], $0xF00  }
0x2b: {  	_ =	swait.ge [sflag:s14], $0x2800  }
0x2c: {  	[sflag:s14] =	ssyncset.done $0x0  }
0x2d: {  	[sflag:s14] =	ssyncadd.s32 $0xFFFFD800  }
0x2e: {  	_ =	swait.ge [sflag:s15], $0x2800  }
0x2f: {  	[sflag:s15] =	ssyncset.done $0x0  }
0x30: {  	[sflag:s15] =	ssyncadd.s32 $0xFFFFD800  }
0x31: {  	_ =	swait.ge [sflag:s16], $0xF00  }
0x32: {  	[sflag:s16] =	ssyncset.done $0x0  }
0x33: {  	[sflag:s16] =	ssyncadd.s32 $0xFFFFF100  }
0x34: {  	[bflag:$0x0] =	sbarrier.arrive $0xFFFF  }
0x35: {  	[tilespmem:s18], [sflag:$0x1] =	stream.indirect.gather [hbm4b:s5+s17], $0x30, s4, s17, $0xb8;
	[tilespmem:$0x125C0] =	vst v63  }
0x36: {  	s31 =	simm.s32 $0x80  }
0x37: {  	[tilespmem:s20], [sflag:$0x2] =	stream.indirect.gather [hbm4b:s5+s17], $0x30, s31, s17, $0xb8;
	[tilespmem:$0x125C0] =	vst v63  }
0x38: {  	_ =	swait.ge [sflag:s14], $0x1770  }
0x39: {  	[sflag:s14] =	ssyncset.done $0x0  }
0x3a: {  	[sflag:s14] =	ssyncadd.s32 $0xFFFFE890  }
0x3b: {  	[spmem:s3] =	stream.indirect.scatter.add.f32 [tilespmem:s18], [sflag:$0x5], $0x30, s12, s17, $0xb8;
	[tilespmem:$0x125C0] =	vst v63  }
0x3c: {  	s26 =	simm.s32 $0x100  }
0x3d: {  	[tilespmem:s22], [sflag:$0x3] =	stream.indirect.gather [hbm4b:s5+s17], $0x30, s26, s17, $0xb8;
	[tilespmem:$0x125C0] =	vst v63  }
0x3e: {  	_ =	swait.ge [sflag:s15], $0x1770  }
0x3f: {  	[sflag:s15] =	ssyncset.done $0x0  }
0x40: {  	s29 =	simm.s32 $0x2880;
	[sflag:s15] =	ssyncadd.s32 $0xFFFFE890  }
0x41: {  	[spmem:s3] =	stream.indirect.scatter.add.f32 [tilespmem:s20], [sflag:$0x6], $0x30, s29, s17, $0xb8;
	[tilespmem:$0x125C0] =	vst v63  }
0x42: {  	s31 =	simm.s32 $0x180  }
0x43: {  	[tilespmem:s25], [sflag:$0x4] =	stream.indirect.gather [hbm4b:s5+s17], $0x30, s31, s17, $0xb8;
	[tilespmem:$0x125C0] =	vst v63  }
0x44: {  	_ =	swait.ge [sflag:s16], $0x1770  }
0x45: {  	[sflag:s16] =	ssyncset.done $0x0  }
0x46: {  	s26 =	simm.s32 $0x2900;
	[sflag:s16] =	ssyncadd.s32 $0xFFFFE890  }
0x47: {  	[spmem:s3] =	stream.indirect.scatter.add.f32 [tilespmem:s22], [sflag:$0x7], $0x30, s26, s17, $0xb8;
	[tilespmem:$0x125C0] =	vst v63  }
0x48: {  	_ =	swait.ge [sflag:s28], $0x1770  }
0x49: {  	[sflag:s28] =	ssyncset.done $0x0  }
0x4a: {  	s29 =	simm.s32 $0x200;
	[sflag:s28] =	ssyncadd.s32 $0xFFFFE890  }
0x4b: {  	[tilespmem:s18], [sflag:$0x1] =	stream.indirect.gather [hbm4b:s5+s17], $0x30, s29, s17, $0xb8;
	[tilespmem:$0x125C0] =	vst v63  }
0x4c: {  	_ =	swait.ge [sflag:s30], $0x1770  }
0x4d: {  	[sflag:s30] =	ssyncset.done $0x0  }
0x4e: {  	s31 =	simm.s32 $0x2980;
	[sflag:s30] =	ssyncadd.s32 $0xFFFFE890  }
0x4f: {  	[spmem:s3] =	stream.indirect.scatter.add.f32 [tilespmem:s25], [sflag:$0x8], $0x30, s31, s17, $0xb8;
	[tilespmem:$0x125C0] =	vst v63  }
0x50: {  	_ =	swait.ge [sflag:s0], $0x1770  }
0x51: {  	[sflag:s0] =	ssyncset.done $0x0  }
0x52: {  	s24 =	simm.s32 $0x0;
	[sflag:s0] =	ssyncadd.s32 $0xFFFFE890  }
0x53: {  	[tilespmem:s20], [sflag:$0x2] =	stream.indirect.gather [hbm4b:s5+s17], $0x30, s1, s17, $0xb8;
	[tilespmem:$0x125C0] =	vst v63  }
.LBB2_2:
0x54: {  	_ =	swait.ge [sflag:s14], $0x1770  }
0x55: {  	s26 =	sshra.s32 s24, $0x2;
	[sflag:s14] =	ssyncset.done $0x0  }
0x56: {  	s29 =	sadd.s32 $0x2A00, s26;
	[sflag:s14] =	ssyncadd.s32 $0xFFFFE890  }
0x57: {  	[spmem:s3] =	stream.indirect.scatter.add.f32 [tilespmem:s18], [sflag:$0x5], $0x30, s29, s17, $0xb8;
	[tilespmem:$0x125C0] =	vst v63  }
0x58: {  	_ =	swait.ge [sflag:s2], $0x1770  }
0x59: {  	[sflag:s2] =	ssyncset.done $0x0  }
0x5a: {  	s29 =	sadd.s32 $0x300, s26;
	[sflag:s2] =	ssyncadd.s32 $0xFFFFE890  }
0x5b: {  	[tilespmem:s22], [sflag:$0x3] =	stream.indirect.gather [hbm4b:s5+s17], $0x30, s29, s17, $0xb8;
	[tilespmem:$0x125C0] =	vst v63  }
0x5c: {  	_ =	swait.ge [sflag:s15], $0x1770  }
0x5d: {  	[sflag:s15] =	ssyncset.done $0x0  }
0x5e: {  	s29 =	sadd.s32 $0x2A80, s26;
	[sflag:s15] =	ssyncadd.s32 $0xFFFFE890  }
0x5f: {  	[spmem:s3] =	stream.indirect.scatter.add.f32 [tilespmem:s20], [sflag:$0x6], $0x30, s29, s17, $0xb8;
	[tilespmem:$0x125C0] =	vst v63  }
0x60: {  	_ =	swait.ge [sflag:s19], $0x1770  }
0x61: {  	[sflag:s19] =	ssyncset.done $0x0  }
0x62: {  	p0 =	seq.s32 s24, $0x9000;
	s29 =	sadd.s32 $0x380, s26;
	[sflag:s19] =	ssyncadd.s32 $0xFFFFE890  }
0x63: {  	[tilespmem:s25], [sflag:$0x4] =	stream.indirect.gather [hbm4b:s5+s17], $0x30, s29, s17, $0xb8;
	[tilespmem:$0x125C0] =	vst v63  }
.Ltmp2:
0x64: {  	_ =	swait.ge [sflag:s16], $0x1770;
	(pc) =	sbr.rel @p0 .LBB2_4-.Ltmp2, $4  }
0x65: {  	[sflag:s16] =	ssyncset.done $0x0  }
0x66: {  	s29 =	sadd.s32 $0x2B00, s26;
	[sflag:s16] =	ssyncadd.s32 $0xFFFFE890  }
0x67: {  	[spmem:s3] =	stream.indirect.scatter.add.f32 [tilespmem:s22], [sflag:$0x7], $0x30, s29, s17, $0xb8;
	[tilespmem:$0x125C0] =	vst v63  }
0x68: {  	s29 =	sadd.s32 $0x2B80, s26  }
0x69: {  	_ =	swait.ge [sflag:s28], $0x1770  }
0x6a: {  	[sflag:s28] =	ssyncset.done $0x0  }
0x6b: {  	s31 =	sadd.s32 $0x400, s26;
	[sflag:s28] =	ssyncadd.s32 $0xFFFFE890  }
0x6c: {  	[tilespmem:s18], [sflag:$0x1] =	stream.indirect.gather [hbm4b:s5+s17], $0x30, s31, s17, $0xb8;
	[tilespmem:$0x125C0] =	vst v63  }
0x6d: {  	_ =	swait.ge [sflag:s30], $0x1770  }
0x6e: {  	[sflag:s30] =	ssyncset.done $0x0  }
0x6f: {  	[sflag:s30] =	ssyncadd.s32 $0xFFFFE890  }
0x70: {  	[spmem:s3] =	stream.indirect.scatter.add.f32 [tilespmem:s25], [sflag:$0x8], $0x30, s29, s17, $0xb8;
	[tilespmem:$0x125C0] =	vst v63  }
.Ltmp3:
0x71: {  	_ = 	snop;
	(pc) =	sbr.rel .LBB2_2-.Ltmp3, $4  }
0x72: {  	_ =	swait.ge [sflag:s0], $0x1770  }
0x73: {  	[sflag:s0] =	ssyncset.done $0x0  }
0x74: {  	s24 =	sadd.s32 $0x800, s24;
	s31 =	sadd.s32 $0x480, s26;
	[sflag:s0] =	ssyncadd.s32 $0xFFFFE890  }
0x75: {  	[tilespmem:s20], [sflag:$0x2] =	stream.indirect.gather [hbm4b:s5+s17], $0x30, s31, s17, $0xb8;
	[tilespmem:$0x125C0] =	vst v63  }
.LBB2_5:
0x76: {  	_ =	sfence.sel $0x180000  }
0x77: {  	[bflag:$0x0] =	sbarrier.arrive $0xFFFF  }
0x78: {  	_ =	strace $0x9000004D  }
0x79: {  	s0 =	stileid.u32;
	[bflag:$0x2] =	sbarrier.arrive $0xFFFF  }
0x7a: {  	p0 =	sne.s32 s0, $0x0;
	s0 =	rddreg [dreg:$0x3]  }
0x7b: {  	s0 =	sadd.s32 @!p0 $0x100000, s0  }
0x7c: {  	[sflag:s0] =	ssyncadd.tile.s32 @!p0 $0x1;
	_ =	shalt  }
.Lfunc_end2:
_tile_overlayer_lowered:
.L_overlay_start_2:
0x7d: {  	(tag) =	ssettag $0x2  }
0x7e: {  	s0 =	rddreg [dreg:$0x0];
	s2 =	stileid.u32  }
0x7f: {  	s1 =	rddreg [dreg:$0x1];
	p0 =	sne.s32 s2, $0x0  }
0x80: {  	s3 =	rddreg [dreg:$0x2];
	[bflag:$0x3] =	sbarrier.arrive $0xFFFF;
	s2 =	simm.s32 @!p0 $0x1C09  }
0x81: {  	[timem:s3], [sflag:s2] =	dma.local @!p0 [hbm:s0], s1  }
0x82: {  	s0 =	simm.s32 @!p0 $0x9  }
0x83: {  	_ =	swait.ge @!p0 [sflag:s0], s1  }
0x84: {  	s1 =	ssub.s32 @!p0 $0x0, s1;
	[sflag:s0] =	ssyncset.done @!p0 $0x0  }
0x85: {  	[sflag:s0] =	ssyncadd.s32 @!p0 s1  }
0x86: {  	[bflag:$0x3] =	sbarrier.arrive $0xFFFF  }
0x87: {  	_ =	shalt  }

// kernel: kernel.9.cloned.1.call-start
scs
__scs_entry_jumppad:
0x0: {  	(pc) =	sbr.rel $0x88, $3  }
0x1: {  	(tag) =	ssettag $0x0;
	lr =	simm.s32 $0x1  }
0x2: {  	[smem:$0x3F99] =	sst lr;
	_ =	strace $0xD0000000  }
0x3: {  	_ = 	snop  }
0x4: {  	_ = 	snop  }
0x5: {  	_ = 	snop  }
0x6: {  	_ = 	snop  }
0x7: {  	_ = 	snop  }
__scs_overlays_trampoline_lowered:
0x8: {  	[smem:$0x3FA8] =	sst s0  }
0x9: {  	[smem:$0x3FA9] =	sst s1  }
0xa: {  	[smem:$0x3FAA] =	sst s2  }
0xb: {  	[smem:$0x3FAB] =	sst s3  }
0xc: {  	[smem:$0x3FAC] =	sst s4  }
0xd: {  	[smem:$0x3FAD] =	sst s5  }
0xe: {  	[smem:$0x3FAE] =	sst s6  }
0xf: {  	[smem:$0x3FAF] =	sst s7  }
0x10: {  	[smem:$0x3FB0] =	sst s8  }
0x11: {  	[smem:$0x3FB1] =	sst s9;
	s0 =	simm.s32 @!p0 $0x0  }
0x12: {  	s1 =	sld [smem:$0x3F97];
	s0 =	simm.s32 @p0 $0x1  }
0x13: {  	[smem:$0x3FB2] =	sst s0;
	s0 =	simm.s32 @!p1 $0x0  }
0x14: {  	s2 =	sld [smem:$0x3F96];
	s0 =	simm.s32 @p1 $0x1  }
0x15: {  	[smem:$0x3FB3] =	sst s0;
	s0 =	simm.s32 @!p2 $0x0  }
0x16: {  	s3 =	sld [smem:$0x3FDB];
	s0 =	simm.s32 @p2 $0x1  }
0x17: {  	s4 =	simm.s32 $0x1BF5;
	[smem:$0x3FB5] =	sst s0  }
0x18: {  	s0 =	sld [smem:$0x3F98];
	_ =	swait.ge [sflag:s4], $0x0  }
0x19: {  	s7 =	sld [smem:$0x3F99]  }
0x1a: {  	s8 =	sadd.s32 $0xFFFFE003, lr  }
0x1b: {  	s9 =	sadd.s32 $0xFFFFFEF7, lr;
	s5 =	simm.s32 $0xFFFFFFFF;
	p2 =	slt.u32 s8, $0xFFFFF086  }
0x1c: {  	p1 =	slt.u32 s9, $0xF7A;
	s5 =	simm.s32 @!p2 $0x0  }
0x1d: {  	s5 =	simm.s32 @p1 $0x1;
	p0 =	seq.s32 s7, s2  }
0x1e: {  	s7 =	smul.u32 @!p0 $0xF7A, s2;
	p2 =	seq.s32 @!p0 s5, $0x0  }
0x1f: {  	s9 =	smul.u32 $0xF7A, s1;
	s8 =	simm.s32 @!p0 $0x1BF5;
	p2 =	por !p2, p0  }
0x20: {  	[sflag:s8] =	ssyncset.s32 @!p0 $0xFFFFF086;
	s6 =	sadd.s32 @!p0 s3, s7;
	s7 =	simm.s32 @!p0 $0x108  }
0x21: {  	s3 =	sadd.s32 s3, s9;
	s6 =	sadd.s32 @!p0 $0x88, s6;
	s7 =	simm.s32 @p2 $0x1082  }
0x22: {  	[simem:s7], [sflag:s8] =	dma.local @!p0 [hbm:s6], $0xF7A  }
0x23: {  	s9 =	sor.u32 $0xD0000000, s2;
	s6 =	simm.s32 $0x108;
	_ =	swait.ge @!p0 [sflag:s8], $0x0  }
0x24: {  	s3 =	sadd.s32 $0x88, s3;
	s6 =	simm.s32 @!p1 $0x1082;
	[sflag:s4] =	ssyncset.s32 $0xFFFFF086  }
0x25: {  	[simem:s6], [sflag:s4] =	dma.local [hbm:s3], $0xF7A  }
0x26: {  	[smem:$0x3F99] =	sst s1;
	(tag) =	ssettag s2;
	_ =	strace s9  }
0x27: {  	s1 =	sld [smem:$0x3FA9]  }
0x28: {  	s2 =	sld [smem:$0x3FAA]  }
0x29: {  	s4 =	sld [smem:$0x3FAC]  }
0x2a: {  	p0 =	seq.s32 s5, $0x0;
	s5 =	sld [smem:$0x3FAD]  }
0x2b: {  	s6 =	sld [smem:$0x3FAE]  }
0x2c: {  	s7 =	sld [smem:$0x3FAF]  }
0x2d: {  	s3 =	simm.s32 $0x108;
	s8 =	sld [smem:$0x3FB0]  }
0x2e: {  	s3 =	simm.s32 @!p0 $0x1082;
	s9 =	sld [smem:$0x3FB1]  }
0x2f: {  	lr =	sadd.s32 s0, s3;
	s0 =	sld [smem:$0x3FA8]  }
0x30: {  	s3 =	sld [smem:$0x3FAB]  }
0x31: {  	[smem:$0x3FB4] =	sst s10  }
0x32: {  	s10 =	sld [smem:$0x3FB2];
	_ =	sdelay $0x3  }
0x33: {  	p0 =	seq.s32 s10, $0x1;
	s10 =	sld [smem:$0x3FB4];
	_ =	sdelay $0x3  }
0x34: {  	[smem:$0x3FB4] =	sst s10  }
0x35: {  	s10 =	sld [smem:$0x3FB3];
	_ =	sdelay $0x3  }
0x36: {  	p1 =	seq.s32 s10, $0x1;
	s10 =	sld [smem:$0x3FB4];
	_ =	sdelay $0x3  }
0x37: {  	[smem:$0x3FB4] =	sst s10  }
0x38: {  	s10 =	sld [smem:$0x3FB5]  }
0x39: {  	_ = 	snop;
	(pc) =	sbr.ind lr, $3  }
0x3a: {  	_ = 	snop  }
0x3b: {  	_ = 	snop  }
0x3c: {  	p2 =	seq.s32 s10, $0x1;
	s10 =	sld [smem:$0x3FB4]  }
0x3d: {  	_ =	shalt  }
0x3e: {  	_ =	shalt  }
0x3f: {  	_ =	shalt  }
0x40: {  	_ =	shalt  }
0x41: {  	_ =	shalt  }
0x42: {  	_ =	shalt  }
0x43: {  	_ =	shalt  }
0x44: {  	_ =	shalt  }
0x45: {  	_ =	shalt  }
0x46: {  	_ =	shalt  }
0x47: {  	_ =	shalt  }
0x48: {  	_ =	shalt  }
0x49: {  	_ =	shalt  }
0x4a: {  	_ =	shalt  }
0x4b: {  	_ =	shalt  }
0x4c: {  	_ =	shalt  }
0x4d: {  	_ =	shalt  }
0x4e: {  	_ =	shalt  }
0x4f: {  	_ =	shalt  }
0x50: {  	_ =	shalt  }
0x51: {  	_ =	shalt  }
0x52: {  	_ =	shalt  }
0x53: {  	_ =	shalt  }
0x54: {  	_ =	shalt  }
0x55: {  	_ =	shalt  }
0x56: {  	_ =	shalt  }
0x57: {  	_ =	shalt  }
0x58: {  	_ =	shalt  }
0x59: {  	_ =	shalt  }
0x5a: {  	_ =	shalt  }
0x5b: {  	_ =	shalt  }
0x5c: {  	_ =	shalt  }
0x5d: {  	_ =	shalt  }
0x5e: {  	_ =	shalt  }
0x5f: {  	_ =	shalt  }
0x60: {  	_ =	shalt  }
0x61: {  	_ =	shalt  }
0x62: {  	_ =	shalt  }
0x63: {  	_ =	shalt  }
0x64: {  	_ =	shalt  }
0x65: {  	_ =	shalt  }
0x66: {  	_ =	shalt  }
0x67: {  	_ =	shalt  }
0x68: {  	_ =	shalt  }
0x69: {  	_ =	shalt  }
0x6a: {  	_ =	shalt  }
0x6b: {  	_ =	shalt  }
0x6c: {  	_ =	shalt  }
0x6d: {  	_ =	shalt  }
0x6e: {  	_ =	shalt  }
0x6f: {  	_ =	shalt  }
0x70: {  	_ =	shalt  }
0x71: {  	_ =	shalt  }
0x72: {  	_ =	shalt  }
0x73: {  	_ =	shalt  }
0x74: {  	_ =	shalt  }
0x75: {  	_ =	shalt  }
0x76: {  	_ =	shalt  }
0x77: {  	_ =	shalt  }
0x78: {  	_ =	shalt  }
0x79: {  	_ =	shalt  }
0x7a: {  	_ =	shalt  }
0x7b: {  	_ =	shalt  }
0x7c: {  	_ =	shalt  }
0x7d: {  	_ =	shalt  }
0x7e: {  	_ =	shalt  }
0x7f: {  	_ =	shalt  }
0x80: {  	_ =	shalt  }
0x81: {  	_ =	shalt  }
0x82: {  	_ =	shalt  }
0x83: {  	_ =	shalt  }
0x84: {  	_ =	shalt  }
0x85: {  	_ =	shalt  }
0x86: {  	_ =	shalt  }
0x87: {  	_ =	shalt  }
.Lfunc_end0:
.L_simem_size_0:
called_computation_lowered:
.L_overlay_start_0:
0x88: {  	s2 =	sld [smem:$0x3FD9]  }
0x89: {  	s3 =	sld [smem:$0x3FFE];
	_ =	sdelay $0x1  }
0x8a: {  	s1 =	srdreg.scid  }
0x8b: {  	s0 =	sand.u32 $0x1, s1  }
0x8c: {  	s17 =	sshll.u32 s0, $0xA;
	s2 =	sadd.s32 s3, s2  }
0x8d: {  	s2 =	sadd.s32 s2, s17  }
0x8e: {  	[smem:$0x3FC0] =	sst s2  }
0x8f: {  	_ = 	snop  }
0x90: {  	s2 =	sld [smem:$0x3FD0];
	(tm) =	ssettm $0x1  }
0x91: {  	s18 =	sld [smem:$0x3FFB];
	_ =	sdelay $0x3  }
0x92: {  	_ =	strace s18  }
0x93: {  	s3 =	sld [smem:$0x3FFC];
	_ =	sdelay $0x3  }
0x94: {  	_ =	strace s3  }
0x95: {  	s3 =	sld [smem:$0x3FFD];
	_ =	sdelay $0x3  }
0x96: {  	_ =	strace s3  }
0x97: {  	_ =	strace $0x8FFFFFFF  }
0x98: {  	s19 =	sld [smem:$0x3FDB];
	_ =	sdelay $0x1  }
0x99: {  	s4 =	simm.s32 $_scs_section_size  }
0x9a: {  	s5 =	simm.s32 $_size__tile_overlayer_lowered;
	s6 =	simm.s32 $_tile_overlayer_lowered  }
0x9b: {  	s22 =	simm.s32 $0x1BFF;
	s21 =	sshll.u32 s6, $0x1;
	s3 =	sadd.s32 s4, s19  }
0x9c: {  	s7 =	simm.s32 $0x0;
	s20 =	sshll.u32 s5, $0x1;
	s5 =	sadd.s32 s21, s3  }
0x9d: {  	[timem:s7], [sflag:s22] =	dma.local [hbm:s5], s20  }
0x9e: {  	_ =	swait.ge [sflag:s22], s20  }
0x9f: {  	s4 =	ssub.s32 $0x0, s20;
	[sflag:s22] =	ssyncset.done $0x0  }
0xa0: {  	[sflag:s22] =	ssyncadd.s32 s4;
	_ =	sdelay $0x1  }
0xa1: {  	s23 =	simm.s32 $0x1B8B  }
0xa2: {  	_ =	swait.ge [sflag:s23], $0x1  }
0xa3: {  	[sflag:s23] =	ssyncset.done $0x0  }
0xa4: {  	s25 =	simm.s32 $0x1B8E;
	s24 =	sld [smem:$0x3FFE];
	[sflag:s23] =	ssyncadd.s32 $0xFFFFFFFF  }
0xa5: {  	s26 =	simm.s32 $execute0_lowered;
	[smem:$0x3FD2] =	sst s25  }
0xa6: {  	s5 =	sshll.u32 s26, $0x1;
	_ =	strace $0x80000046;
	[dreg:$0x1] =	wrdreg $0xFFFFFFFF  }
0xa7: {  	s28 =	simm.s32 $_size_execute0_lowered;
	s3 =	sadd.s32 s3, s5;
	[dreg:$0x0] =	wrdreg $0x0  }
0xa8: {  	s5 =	sshll.u32 s28, $0x1;
	[dreg:$0x2] =	wrdreg s3  }
0xa9: {  	[dreg:$0x3] =	wrdreg s5  }
0xaa: {  	[dreg:$0x4] =	wrdreg $0xC0  }
0xab: {  	_ =	task [dreg:s7], $0x5FFFF  }
0xac: {  	[dreg:$0x1] =	wrdreg $0xFFFFFFFF  }
0xad: {  	[dreg:$0x0] =	wrdreg $0x60  }
0xae: {  	[dreg:$0x2] =	wrdreg s24  }
0xaf: {  	[dreg:$0x3] =	wrdreg s2  }
0xb0: {  	[dreg:$0x4] =	wrdreg $0x2BE80  }
0xb1: {  	[dreg:$0x5] =	wrdreg $0x9  }
0xb2: {  	_ =	task.clear_ibuf [dreg:s7], $0x6FFFF;
	_ =	strace $0x90000046  }
0xb3: {  	s29 =	simm.s32 $0x9;
	_ =	strace $0x80000048  }
0xb4: {  	_ =	swait.ge [sflag:s29], $0x1  }
0xb5: {  	[sflag:s29] =	ssyncadd.s32 $0xFFFFFFFF  }
0xb6: {  	_ =	strace $0x90000048  }
0xb7: {  	_ =	sfence  }
0xb8: {  	s30 =	sld [smem:$0x0];
	_ =	sdelay $0x2  }
0xb9: {  	s31 =	sshll.u32 s1, $0xD;
	s1 =	sshrl.u32 s1, $0x2  }
0xba: {  	s3 =	sand.u32 $0x4000, s31;
	s1 =	sadd.s32 s1, s30  }
0xbb: {  	s0 =	sor.u32 s3, s0;
	s1 =	sshll.u32 s1, $0x11  }
0xbc: {  	s0 =	sor.u32 s1, s0  }
0xbd: {  	s0 =	sadd.s32 $0x8F2B, s0  }
0xbe: {  	[sflag:s0] =	ssyncadd.remote.s32 $0x1  }
0xbf: {  	_ =	sfence.sel $0xFFFF  }
0xc0: {  	[dreg:$0x0] =	wrdreg $0xFFFFFFFF;
	(pc) =	sbr.abs _section_cstart, $3  }
0xc1: {  	[dreg:$0x1] =	wrdreg $0xFFFFFFFF  }
0xc2: {  	_ =	task.clear_ibuf [dreg:s7], $0x2FFFF;
	_ =	strace $0x9FFFFFFF  }
0xc3: {  	(tm) =	ssettm $0x7FFFFFFF  }
tec
execute0_lowered:
.L_overlay_start_1:
0x0: {  	(tag) =	ssettag $0x1  }
0x1: {  	s6 =	rddreg [dreg:$0x0]  }
0x2: {  	s8 =	rddreg [dreg:$0x1]  }
0x3: {  	s2 =	rddreg [dreg:$0x2]  }
0x4: {  	s0 =	rddreg [dreg:$0x3]  }
0x5: {  	s4 =	srdreg.scid;
	s1 =	stileid.u32;
	s3 =	simm.s32 $0x0  }
0x6: {  	s13 =	simm.s32 $0x7D;
	s15 =	simm.s32 $0x2;
	s16 =	simm.s32 $0x0  }
0x7: {  	s5 =	sand.u32 $0x1, s4;
	s28 =	sshll.u32 s1, $0x1;
	[smem:$0x7FF] =	sst s3  }
0x8: {  	s10 =	smul.u32 $0x1400, s1;
	s14 =	sshll.u32 s1, $0x6;
	s4 =	sor.u32 s5, s28  }
0x9: {  	_ =	strace $0x80000047;
	s9 =	ssub.s32 $0x2, s5;
	s12 =	smul.u32 $0x14000, s5  }
0xa: {  	s5 =	sadd.s32 $0x16600, s6;
	s7 =	smul.u32 $0x2800, s4;
	s11 =	sshrl.u32 s9, $0x1  }
0xb: {  	s4 =	sadd.s32 $0x16200, s6;
	s30 =	sadd.s32 s10, s2;
	s9 =	ssub.s32 s9, s11  }
0xc: {  	s29 =	sadd.s32 s10, s12;
	s10 =	simm.s32 $0x2800;
	s11 =	sshrl.u32 s30, $0x3  }
0xd: {  	s12 =	simm.s32 $0x1;
	s7 =	sshrl.u32 s7, $0x3;
	s31 =	sshrl.u32 s29, $0x3  }
0xe: {  	s9 =	smax.u32 s9, $0x1;
	s6 =	sadd.s32 s6, s7;
	s7 =	sor.u32 $0x1C01, s14  }
0xf: {  	s8 =	sadd.s32 s8, s31;
	s14 =	sor.u32 $0x1C02, s14;
	s6 =	sadd.s32 $0xC200, s6  }
.LBB2_1:
0x10: {  	[tilespmem:s10], [sflag:$0x1] =	stream.linear.gather [hbm4b:s5+s3], $0x3E8, $0x38;
	[tilespmem:$0x3FE8] =	vst v63  }
0x11: {  	_ = 	snop  }
0x12: {  	[tilespmem:s3], [sflag:$0x1] =	stream.linear.gather [hbm4b:s6+s3], $0x2800, $0x38;
	[tilespmem:$0x3FE8] =	vst v63  }
0x13: {  	[spmem:s11], [sflag:s7] =	dma.local [hbm:s4], $0x280  }
0x14: {  	_ =	swait.ge [sflag:s12], $0x3E8  }
0x15: {  	[sflag:s12] =	ssyncset.done $0x0  }
0x16: {  	[sflag:s12] =	ssyncadd.s32 $0xFFFFFC18  }
0x17: {  	_ =	swait.ge [sflag:s12], $0x2800  }
0x18: {  	[sflag:s12] =	ssyncset.done $0x0  }
0x19: {  	[sflag:s12] =	ssyncadd.s32 $0xFFFFD800  }
0x1a: {  	_ =	swait.ge [sflag:s12], $0x280  }
0x1b: {  	[sflag:s12] =	ssyncset.done $0x0  }
0x1c: {  	[sflag:s12] =	ssyncadd.s32 $0xFFFFFD80  }
0x1d: {  	[bflag:$0x0] =	sbarrier.arrive $0xFFFF  }
0x1e: {  	[spmem:s2] =	stream.indirect.scatter.add.f32 [tilespmem:s10], [sflag:$0x1], $0x8, s3, s13, $0xb8;
	[tilespmem:$0x3FE8] =	vst v63  }
0x1f: {  	s17 =	simm.s32 $0x80  }
0x20: {  	[spmem:s2] =	stream.indirect.scatter.add.f32 [tilespmem:s10], [sflag:$0x1], $0x8, s17, s13, $0xb8;
	[tilespmem:$0x3FE8] =	vst v63  }
0x21: {  	_ =	swait.ge [sflag:s12], $0x3E8  }
0x22: {  	s17 =	simm.s32 $0x400;
	[sflag:s12] =	ssyncset.done $0x0  }
.LBB2_2:
0x23: {  	s18 =	sshra.s32 s17, $0x2;
	[sflag:s12] =	ssyncadd.s32 $0xFFFFFC18;
	p0 =	sne.s32 s17, $0x9E00  }
0x24: {  	[spmem:s2] =	stream.indirect.scatter.add.f32 [tilespmem:s10], [sflag:$0x1], $0x8, s18, s13, $0xb8;
	[tilespmem:$0x3FE8] =	vst v63  }
.Ltmp0:
0x25: {  	_ = 	snop;
	(pc) =	sbr.rel @p0 .LBB2_2-.Ltmp0, $4  }
0x26: {  	_ = 	snop  }
0x27: {  	s17 =	sadd.s32 $0x200, s17  }
0x28: {  	_ =	swait.ge [sflag:s12], $0x3E8  }
0x29: {  	[sflag:s12] =	ssyncset.done $0x0  }
0x2a: {  	[sflag:s12] =	ssyncadd.s32 $0xFFFFFC18  }
0x2b: {  	_ =	swait.ge [sflag:s12], $0x3E8  }
0x2c: {  	s16 =	sadd.s32 $0x1, s16;
	[sflag:s12] =	ssyncset.done $0x0  }
0x2d: {  	p0 =	sne.s32 s16, s9;
	[sflag:s12] =	ssyncadd.s32 $0xFFFFFC18  }
.Ltmp1:
0x2e: {  	[bflag:$0x0] =	sbarrier.arrive $0xFFFF;
	(pc) =	sbr.rel @p0 .LBB2_1-.Ltmp1, $4  }
0x2f: {  	[hbm:s8], [sflag:s14] =	dma.local [spmem:s11], $0x280  }
0x30: {  	_ =	swait.ge [sflag:s15], $0x280  }
0x31: {  	[sflag:s15] =	ssyncset.done $0x0  }
0x32: {  	[sflag:s15] =	ssyncadd.s32 $0xFFFFFD80  }
0x33: {  	_ =	sfence.sel $0x180000  }
0x34: {  	[bflag:$0x0] =	sbarrier.arrive $0xFFFF  }
0x35: {  	p0 =	sne.s32 s1, $0x0;
	_ =	strace $0x90000047  }
0x36: {  	s0 =	sadd.s32 @!p0 $0x100000, s0;
	[bflag:$0x2] =	sbarrier.arrive $0xFFFF  }
0x37: {  	[sflag:s0] =	ssyncadd.tile.s32 @!p0 $0x1;
	_ =	shalt  }
.Lfunc_end2:
_tile_overlayer_lowered:
.L_overlay_start_2:
0x38: {  	(tag) =	ssettag $0x2  }
0x39: {  	s0 =	rddreg [dreg:$0x0];
	s2 =	stileid.u32  }
0x3a: {  	s1 =	rddreg [dreg:$0x1];
	p0 =	sne.s32 s2, $0x0  }
0x3b: {  	s3 =	rddreg [dreg:$0x2];
	[bflag:$0x3] =	sbarrier.arrive $0xFFFF;
	s2 =	simm.s32 @!p0 $0x1C02  }
0x3c: {  	[timem:s3], [sflag:s2] =	dma.local @!p0 [hbm:s0], s1  }
0x3d: {  	s0 =	simm.s32 @!p0 $0x2  }
0x3e: {  	_ =	swait.ge @!p0 [sflag:s0], s1  }
0x3f: {  	s1 =	ssub.s32 @!p0 $0x0, s1;
	[sflag:s0] =	ssyncset.done @!p0 $0x0  }
0x40: {  	[sflag:s0] =	ssyncadd.s32 @!p0 s1  }
0x41: {  	[bflag:$0x3] =	sbarrier.arrive $0xFFFF  }
0x42: {  	_ =	shalt  }

</sc_bundles>
